<compile_context>
chip_gen: v7x
topology: tpu7x:2x2x1
jax: 0.10.2.dev20260603
libtpu: 0.0.44.dev20260713+nightly
codegen_flags: <defaults>
</compile_context>

<pallas_src>
import jax
import jax.numpy as jnp
from jax import lax
from jax.experimental import pallas as pl
from jax.experimental.pallas import tpu as pltpu
from jax.experimental.pallas import tpu_sc as plsc

N = 100000
D_IN = 144
D_OUT = 128
D_HI = D_IN - D_OUT
HID = 64
NUM_SEG = 1024

RBLK = 10000
NBLK = N // RBLK

CHUNK = 128
NCH_FULL = N // CHUNK
TAIL = N - NCH_FULL * CHUNK
NW = 32
KMAX = (NCH_FULL + NW - 1) // NW
SEG_PER_TILE = NUM_SEG // 16


def _max_body(z_ref, w1_ref, b1_ref, w2_ref, m_ref, m_acc):
    i = pl.program_id(0)
    h = jnp.maximum(
        jnp.dot(z_ref[...], w1_ref[...], preferred_element_type=jnp.float32)
        + b1_ref[...],
        0.0,
    )
    s = jnp.dot(h, w2_ref[...], preferred_element_type=jnp.float32)
    bm = jnp.max(s)

    @pl.when(i == 0)
    def _():
        m_acc[0] = bm

    @pl.when(i > 0)
    def _():
        m_acc[0] = jnp.maximum(m_acc[0], bm)

    @pl.when(i == NBLK - 1)
    def _():
        m_ref[0, 0] = m_acc[0]


def _scores_max(z, W1, b1, W2):
    return pl.pallas_call(
        _max_body,
        grid=(NBLK,),
        in_specs=[
            pl.BlockSpec((RBLK, D_IN), lambda i: (i, 0)),
            pl.BlockSpec((D_IN, HID), lambda i: (0, 0)),
            pl.BlockSpec((1, HID), lambda i: (0, 0)),
            pl.BlockSpec((HID, 1), lambda i: (0, 0)),
        ],
        out_specs=pl.BlockSpec(memory_space=pltpu.SMEM),
        out_shape=jax.ShapeDtypeStruct((1, 1), jnp.float32),
        scratch_shapes=[pltpu.SMEM((1,), jnp.float32)],
    )(z, W1, b1, W2)


def _vals_body(z_ref, w1_ref, b1_ref, w2_ref, b2_ref, m_ref,
               vals_ref, zsum_ref, z_acc):
    i = pl.program_id(0)
    h = jnp.maximum(
        jnp.dot(z_ref[...], w1_ref[...], preferred_element_type=jnp.float32)
        + b1_ref[...],
        0.0,
    )
    s = jnp.dot(h, w2_ref[...], preferred_element_type=jnp.float32) + b2_ref[0]
    e = jnp.exp(s - m_ref[0])
    vals_ref[...] = e * z_ref[:, :D_OUT].astype(jnp.float32)
    bs = jnp.sum(e)

    @pl.when(i == 0)
    def _():
        z_acc[0] = bs

    @pl.when(i > 0)
    def _():
        z_acc[0] = z_acc[0] + bs

    @pl.when(i == NBLK - 1)
    def _():
        zsum_ref[0, 0] = z_acc[0]


def _weighted_vals(z, W1, b1, W2, b2, m):
    return pl.pallas_call(
        _vals_body,
        grid=(NBLK,),
        in_specs=[
            pl.BlockSpec((RBLK, D_IN), lambda i: (i, 0)),
            pl.BlockSpec((D_IN, HID), lambda i: (0, 0)),
            pl.BlockSpec((1, HID), lambda i: (0, 0)),
            pl.BlockSpec((HID, 1), lambda i: (0, 0)),
            pl.BlockSpec(memory_space=pltpu.SMEM),
            pl.BlockSpec(memory_space=pltpu.SMEM),
        ],
        out_specs=[
            pl.BlockSpec((RBLK, D_OUT), lambda i: (i, 0)),
            pl.BlockSpec(memory_space=pltpu.SMEM),
        ],
        out_shape=[
            jax.ShapeDtypeStruct((N, D_OUT), jnp.float32),
            jax.ShapeDtypeStruct((1, 1), jnp.float32),
        ],
        scratch_shapes=[pltpu.SMEM((1,), jnp.float32)],
    )(z, W1, b1, W2, b2, m)


def _sc_pool_body(vals_hbm, idx_hbm, out_vals, out_cnt,
                  rows_v, idx_v, idx_tail_v, ones_v, zb_v,
                  acc_vals, acc_cnt, gsem, csem):
    cid = lax.axis_index("c")
    sid = lax.axis_index("s")
    wid = sid * 2 + cid

    zvec = jnp.zeros((16,), jnp.float32)
    onevec = jnp.where(lax.iota(jnp.int32, 16) == 0, 1.0, 0.0).astype(jnp.float32)

    def _zrow(r, _):
        for j in range(D_OUT // 16):
            zb_v[r, pl.ds(j * 16, 16)] = zvec
        return 0

    lax.fori_loop(0, SEG_PER_TILE, _zrow, 0)

    def _orow(r, _):
        ones_v[r, pl.ds(0, 16)] = onevec
        for j in range(1, D_OUT // 16):
            ones_v[r, pl.ds(j * 16, 16)] = zvec
        return 0

    lax.fori_loop(0, CHUNK, _orow, 0)

    pltpu.sync_copy(zb_v, acc_vals.at[pl.ds(sid * SEG_PER_TILE, SEG_PER_TILE)])
    pltpu.sync_copy(zb_v, acc_cnt.at[pl.ds(sid * SEG_PER_TILE, SEG_PER_TILE)])
    plsc.subcore_barrier()

    def _start_gather(ch, b):
        base = ch * CHUNK
        pltpu.async_copy(vals_hbm.at[pl.ds(base, CHUNK)], rows_v.at[b], gsem.at[b])
        pltpu.async_copy(idx_hbm.at[pl.ds(base, CHUNK)], idx_v.at[b], gsem.at[b])

    def _wait_gather(ch, b):
        base = ch * CHUNK
        pltpu.make_async_copy(
            vals_hbm.at[pl.ds(base, CHUNK)], rows_v.at[b], gsem.at[b]).wait()
        pltpu.make_async_copy(
            idx_hbm.at[pl.ds(base, CHUNK)], idx_v.at[b], gsem.at[b]).wait()

    _start_gather(wid, 0)

    def _pair(kk, _):
        k2 = kk * 2
        for b in (0, 1):
            k = k2 + b
            ch = wid + k * NW
            nxt = ch + NW

            @pl.when(ch < NCH_FULL)
            def _():
                _wait_gather(ch, b)

                @pl.when(nxt < NCH_FULL)
                def _():
                    _start_gather(nxt, 1 - b)

                pltpu.async_copy(ones_v, acc_cnt.at[idx_v.at[b]], csem, add=True)
                pltpu.sync_copy(rows_v.at[b], acc_vals.at[idx_v.at[b]], add=True)
                pltpu.make_async_copy(
                    ones_v, acc_cnt.at[idx_v.at[b]], csem).wait()

        return 0

    lax.fori_loop(0, (KMAX + 1) // 2, _pair, 0)

    @pl.when(wid == NW - 1)
    def _():
        base = NCH_FULL * CHUNK
        pltpu.sync_copy(vals_hbm.at[pl.ds(base, TAIL)],
                        rows_v.at[0].at[pl.ds(0, TAIL)])
        pltpu.sync_copy(idx_hbm.at[pl.ds(base, TAIL)], idx_tail_v)
        pltpu.sync_copy(rows_v.at[0].at[pl.ds(0, TAIL)],
                        acc_vals.at[idx_tail_v], add=True)
        pltpu.sync_copy(ones_v.at[pl.ds(0, TAIL)],
                        acc_cnt.at[idx_tail_v], add=True)

    plsc.subcore_barrier()

    sl = pl.ds(sid * SEG_PER_TILE, SEG_PER_TILE)
    pltpu.sync_copy(acc_vals.at[sl], out_vals.at[cid, sl])
    pltpu.sync_copy(acc_cnt.at[sl], out_cnt.at[cid, sl])


def _sc_pool(vals, idx):
    mesh = plsc.VectorSubcoreMesh(core_axis_name="c", subcore_axis_name="s")
    f = pl.kernel(
        _sc_pool_body,
        out_type=(
            jax.ShapeDtypeStruct((2, NUM_SEG, D_OUT), jnp.float32),
            jax.ShapeDtypeStruct((2, NUM_SEG, D_OUT), jnp.float32),
        ),
        mesh=mesh,
        scratch_types=[
            pltpu.VMEM((2, CHUNK, D_OUT), jnp.float32),
            pltpu.VMEM((2, CHUNK), jnp.int32),
            pltpu.VMEM((TAIL,), jnp.int32),
            pltpu.VMEM((CHUNK, D_OUT), jnp.float32),
            pltpu.VMEM((SEG_PER_TILE, D_OUT), jnp.float32),
            pltpu.VMEM_SHARED((NUM_SEG, D_OUT), jnp.float32),
            pltpu.VMEM_SHARED((NUM_SEG, D_OUT), jnp.float32),
            pltpu.SemaphoreType.DMA((2,)),
            pltpu.SemaphoreType.DMA,
        ],
    )
    return f(vals, idx)


def _merge_body(av_ref, ac_ref, zsum_ref, out_ref):
    v = av_ref[0] + av_ref[1]
    c = ac_ref[0, :, 0:1] + ac_ref[1, :, 0:1]
    zt = zsum_ref[0]
    out_ref[...] = v / (zt * jnp.maximum(c, 1.0))


def _merge(acc_vals, acc_cnt, zsum):
    return pl.pallas_call(
        _merge_body,
        grid=(1,),
        in_specs=[
            pl.BlockSpec((2, NUM_SEG, D_OUT), lambda i: (0, 0, 0)),
            pl.BlockSpec((2, NUM_SEG, D_OUT), lambda i: (0, 0, 0)),
            pl.BlockSpec(memory_space=pltpu.SMEM),
        ],
        out_specs=pl.BlockSpec((NUM_SEG, D_OUT), lambda i: (0, 0)),
        out_shape=jax.ShapeDtypeStruct((NUM_SEG, D_OUT), jnp.float32),
    )(acc_vals, acc_cnt, zsum)


def kernel(z, batch_index, W1, b1, W2, b2):
    seg = batch_index.astype(jnp.int32)
    z16 = z.astype(jnp.bfloat16)
    W116 = W1.astype(jnp.bfloat16)
    b1r = b1.reshape(1, HID)
    m = _scores_max(z16, W116, b1r, W2)
    vals, zsum = _weighted_vals(z16, W116, b1r, W2, b2.reshape(1), m.reshape(1))
    acc_vals, acc_cnt = _sc_pool(vals, seg)
    return _merge(acc_vals, acc_cnt, zsum.reshape(1))

# --- scband reference (transcript-rebuilt; emitter-appended) ---
"""Pipeline reference for scband-attention-net-pooling-56839597195673 (READ-ONLY COPY).

The authoritative reference and input builder live on the scoring server;
editing this copy changes nothing except your own understanding.
"""

import jax, jax.numpy as jnp
import numpy as np

N = 100000
D_IN = 144
D_OUT = 128
HID = 64
NUM_SEG = 1024

def setup_inputs(seed: int = 0) -> dict:
    key = jax.random.key(seed)
    k1, k2, k3, k4, k5, k6 = jax.random.split(key, 6)
    z = jax.random.normal(k1, (N, D_IN), dtype=jnp.float32)
    batch_index = jnp.sort(jax.random.randint(k2, (N,), 0, NUM_SEG)).astype(jnp.int64)
    W1 = jax.random.normal(k3, (D_IN, HID), dtype=jnp.float32) * 0.05
    b1 = jnp.zeros((HID,), dtype=jnp.float32)
    W2 = jax.random.normal(k4, (HID, 1), dtype=jnp.float32) * 0.05
    b2 = jnp.zeros((1,), dtype=jnp.float32)
    return {"z": z, "batch_index": batch_index, "W1": W1, "b1": b1, "W2": W2, "b2": b2}

def reference(z, batch_index, W1, b1, W2, b2):
    # attention_net: Linear -> ReLU -> Linear
    h = jnp.maximum(z @ W1 + b1, 0.0)
    scores = h @ W2 + b2  # [N, 1]
    scores = scores - jnp.max(scores, axis=0, keepdims=True)
    weights = jax.nn.softmax(scores, axis=0)  # softmax over dim 0
    vals = weights * z[:, :D_OUT]  # [N, D_OUT]
    seg = batch_index.astype(jnp.int32)
    sums = jax.ops.segment_sum(vals, seg, num_segments=NUM_SEG)
    counts = jax.ops.segment_sum(jnp.ones((vals.shape[0], 1), dtype=vals.dtype), seg, num_segments=NUM_SEG)
    pooled = sums / jnp.clip(counts, 1.0)
    return pooled

if __name__ == "__main__":
    import jax
    _d = setup_inputs()
    print(jax.jit(kernel)(*tuple(_d.values())))

</pallas_src>

<mosaic_0001>
#map = affine_map<(d0, d1) -> (0, 0)>
#map1 = affine_map<(d0, d1) -> (0)>
#map2 = affine_map<(d0, d1) -> (0, 0, 0)>
module attributes {stable_mosaic.version = 14 : i64} {
  func.func @_sc_pool_body(%arg0: i32, %arg1: i32, %arg2: memref<100000x128xf32, #tpu.memory_space<hbm>>, %arg3: memref<100000xi32, #tpu.memory_space<hbm>>, %arg4: memref<2x1024x128xf32, #tpu.memory_space<hbm>>, %arg5: memref<2x1024x128xf32, #tpu.memory_space<hbm>>, %arg6: memref<2x128x128xf32, #tpu.memory_space<vmem>>, %arg7: memref<2x128xi32, #tpu.memory_space<vmem>>, %arg8: memref<32xi32, #tpu.memory_space<vmem>>, %arg9: memref<128x128xf32, #tpu.memory_space<vmem>>, %arg10: memref<64x128xf32, #tpu.memory_space<vmem>>, %arg11: memref<1024x128xf32, #tpu.memory_space<vmem_shared>>, %arg12: memref<1024x128xf32, #tpu.memory_space<vmem_shared>>, %arg13: memref<2x!tpu.dma_semaphore, #tpu.memory_space<semaphore_mem>>, %arg14: memref<!tpu.dma_semaphore, #tpu.memory_space<semaphore_mem>>) attributes {dimension_semantics = [#tpu.dimension_semantics<core_parallel>, #tpu.dimension_semantics<subcore_parallel>], iteration_bounds = array<i64: 2, 16>, scalar_prefetch = 0 : i64, scratch_operands = 9 : i64, tpu.core_type = #tpu.core_type<sc_vector_subcore>, window_params = [{transform_indices = #map}, {transform_indices = #map1}, {transform_indices = #map2}, {transform_indices = #map2}]} {
    %mul3A = arith.constant 2 : i32
    %mul3A_0 = arith.muli %arg1, %mul3A : i32
    %add3A = arith.addi %mul3A_0, %arg0 : i32
    %broadcast_in_dim3A = arith.constant 0.000000e+00 : f32
    %broadcast_in_dim3A_1 = vector.broadcast %broadcast_in_dim3A : f32 to vector<16xf32>
    %iota3A = tpu.iota {dimensions = array<i32: 0>} : vector<16xi32>
    %eq3A = arith.constant 0 : i32
    %eq3A_2 = vector.broadcast %eq3A : i32 to vector<16xi32>
    %eq3A_3 = arith.cmpi eq, %iota3A, %eq3A_2 : vector<16xi32>
    %jit3A = arith.constant 1.000000e+00 : f32
    %jit3A_4 = arith.constant 0.000000e+00 : f32
    %broadcast_in_dim3A_5 = vector.broadcast %jit3A : f32 to vector<16xf32>
    %broadcast_in_dim3A_6 = vector.broadcast %jit3A_4 : f32 to vector<16xf32>
    %select_n3A = arith.select %eq3A_3, %broadcast_in_dim3A_5, %broadcast_in_dim3A_6 : vector<16xi1>, vector<16xf32>
    %scan3A = arith.constant 0 : i32
    %scan3A_7 = arith.constant 0 : i32
    %scan3A_8 = arith.constant 64 : i32
    %scan3A_9 = arith.addi %scan3A_7, %scan3A_8 : i32
    %scan3A_10 = arith.constant 1 : i32
    %scan3A_11 = scf.for %scan3A_66 = %scan3A_7 to %scan3A_9 step %scan3A_10 iter_args(%scan3A_67 = %scan3A) -> (i32)  : i32 {
      %swap3A = arith.index_cast %scan3A_66 : i32 to index
      %swap3A_68 = arith.constant 0 : index
      %swap3A_69 = tpu.vector_load %arg10[%swap3A, %swap3A_68] {strides = array<i32>} : memref<64x128xf32, #tpu.memory_space<vmem>>, vector<1x16xf32>,
      %swap3A_70 = vector.shape_cast %swap3A_69 : vector<1x16xf32> to vector<16xf32>
      %swap3A_71 = vector.shape_cast %broadcast_in_dim3A_1 : vector<16xf32> to vector<1x16xf32>
      tpu.vector_store %arg10[%swap3A, %swap3A_68], %swap3A_71 {strides = array<i32>} : memref<64x128xf32, #tpu.memory_space<vmem>>, vector<1x16xf32>,
      %swap3A_72 = arith.index_cast %scan3A_66 : i32 to index
      %swap3A_73 = arith.constant 16 : index
      %swap3A_74 = tpu.vector_load %arg10[%swap3A_72, %swap3A_73] {strides = array<i32>} : memref<64x128xf32, #tpu.memory_space<vmem>>, vector<1x16xf32>,
      %swap3A_75 = vector.shape_cast %swap3A_74 : vector<1x16xf32> to vector<16xf32>
      %swap3A_76 = vector.shape_cast %broadcast_in_dim3A_1 : vector<16xf32> to vector<1x16xf32>
      tpu.vector_store %arg10[%swap3A_72, %swap3A_73], %swap3A_76 {strides = array<i32>} : memref<64x128xf32, #tpu.memory_space<vmem>>, vector<1x16xf32>,
      %swap3A_77 = arith.index_cast %scan3A_66 : i32 to index
      %swap3A_78 = arith.constant 32 : index
      %swap3A_79 = tpu.vector_load %arg10[%swap3A_77, %swap3A_78] {strides = array<i32>} : memref<64x128xf32, #tpu.memory_space<vmem>>, vector<1x16xf32>,
      %swap3A_80 = vector.shape_cast %swap3A_79 : vector<1x16xf32> to vector<16xf32>
      %swap3A_81 = vector.shape_cast %broadcast_in_dim3A_1 : vector<16xf32> to vector<1x16xf32>
      tpu.vector_store %arg10[%swap3A_77, %swap3A_78], %swap3A_81 {strides = array<i32>} : memref<64x128xf32, #tpu.memory_space<vmem>>, vector<1x16xf32>,
      %swap3A_82 = arith.index_cast %scan3A_66 : i32 to index
      %swap3A_83 = arith.constant 48 : index
      %swap3A_84 = tpu.vector_load %arg10[%swap3A_82, %swap3A_83] {strides = array<i32>} : memref<64x128xf32, #tpu.memory_space<vmem>>, vector<1x16xf32>,
      %swap3A_85 = vector.shape_cast %swap3A_84 : vector<1x16xf32> to vector<16xf32>
      %swap3A_86 = vector.shape_cast %broadcast_in_dim3A_1 : vector<16xf32> to vector<1x16xf32>
      tpu.vector_store %arg10[%swap3A_82, %swap3A_83], %swap3A_86 {strides = array<i32>} : memref<64x128xf32, #tpu.memory_space<vmem>>, vector<1x16xf32>,
      %swap3A_87 = arith.index_cast %scan3A_66 : i32 to index
      %swap3A_88 = arith.constant 64 : index
      %swap3A_89 = tpu.vector_load %arg10[%swap3A_87, %swap3A_88] {strides = array<i32>} : memref<64x128xf32, #tpu.memory_space<vmem>>, vector<1x16xf32>,
      %swap3A_90 = vector.shape_cast %swap3A_89 : vector<1x16xf32> to vector<16xf32>
      %swap3A_91 = vector.shape_cast %broadcast_in_dim3A_1 : vector<16xf32> to vector<1x16xf32>
      tpu.vector_store %arg10[%swap3A_87, %swap3A_88], %swap3A_91 {strides = array<i32>} : memref<64x128xf32, #tpu.memory_space<vmem>>, vector<1x16xf32>,
      %swap3A_92 = arith.index_cast %scan3A_66 : i32 to index
      %swap3A_93 = arith.constant 80 : index
      %swap3A_94 = tpu.vector_load %arg10[%swap3A_92, %swap3A_93] {strides = array<i32>} : memref<64x128xf32, #tpu.memory_space<vmem>>, vector<1x16xf32>,
      %swap3A_95 = vector.shape_cast %swap3A_94 : vector<1x16xf32> to vector<16xf32>
      %swap3A_96 = vector.shape_cast %broadcast_in_dim3A_1 : vector<16xf32> to vector<1x16xf32>
      tpu.vector_store %arg10[%swap3A_92, %swap3A_93], %swap3A_96 {strides = array<i32>} : memref<64x128xf32, #tpu.memory_space<vmem>>, vector<1x16xf32>,
      %swap3A_97 = arith.index_cast %scan3A_66 : i32 to index
      %swap3A_98 = arith.constant 96 : index
      %swap3A_99 = tpu.vector_load %arg10[%swap3A_97, %swap3A_98] {strides = array<i32>} : memref<64x128xf32, #tpu.memory_space<vmem>>, vector<1x16xf32>,
      %swap3A_100 = vector.shape_cast %swap3A_99 : vector<1x16xf32> to vector<16xf32>
      %swap3A_101 = vector.shape_cast %broadcast_in_dim3A_1 : vector<16xf32> to vector<1x16xf32>
      tpu.vector_store %arg10[%swap3A_97, %swap3A_98], %swap3A_101 {strides = array<i32>} : memref<64x128xf32, #tpu.memory_space<vmem>>, vector<1x16xf32>,
      %swap3A_102 = arith.index_cast %scan3A_66 : i32 to index
      %swap3A_103 = arith.constant 112 : index
      %swap3A_104 = tpu.vector_load %arg10[%swap3A_102, %swap3A_103] {strides = array<i32>} : memref<64x128xf32, #tpu.memory_space<vmem>>, vector<1x16xf32>,
      %swap3A_105 = vector.shape_cast %swap3A_104 : vector<1x16xf32> to vector<16xf32>
      %swap3A_106 = vector.shape_cast %broadcast_in_dim3A_1 : vector<16xf32> to vector<1x16xf32>
      tpu.vector_store %arg10[%swap3A_102, %swap3A_103], %swap3A_106 {strides = array<i32>} : memref<64x128xf32, #tpu.memory_space<vmem>>, vector<1x16xf32>,
      %scan3A_107 = arith.constant 0 : i32
      scf.yield %scan3A_107 : i32
    }
    %scan3A_12 = arith.constant 64 : i32
    %scan3A_13 = arith.constant 0 : i32
    %scan3A_14 = arith.constant 0 : i32
    %scan3A_15 = arith.constant 128 : i32
    %scan3A_16 = arith.addi %scan3A_14, %scan3A_15 : i32
    %scan3A_17 = arith.constant 1 : i32
    %scan3A_18 = scf.for %scan3A_66 = %scan3A_14 to %scan3A_16 step %scan3A_17 iter_args(%scan3A_67 = %scan3A_13) -> (i32)  : i32 {
      %swap3A = arith.index_cast %scan3A_66 : i32 to index
      %swap3A_68 = arith.constant 0 : index
      %swap3A_69 = tpu.vector_load %arg9[%swap3A, %swap3A_68] {strides = array<i32>} : memref<128x128xf32, #tpu.memory_space<vmem>>, vector<1x16xf32>,
      %swap3A_70 = vector.shape_cast %swap3A_69 : vector<1x16xf32> to vector<16xf32>
      %swap3A_71 = vector.shape_cast %select_n3A : vector<16xf32> to vector<1x16xf32>
      tpu.vector_store %arg9[%swap3A, %swap3A_68], %swap3A_71 {strides = array<i32>} : memref<128x128xf32, #tpu.memory_space<vmem>>, vector<1x16xf32>,
      %swap3A_72 = arith.index_cast %scan3A_66 : i32 to index
      %swap3A_73 = arith.constant 16 : index
      %swap3A_74 = tpu.vector_load %arg9[%swap3A_72, %swap3A_73] {strides = array<i32>} : memref<128x128xf32, #tpu.memory_space<vmem>>, vector<1x16xf32>,
      %swap3A_75 = vector.shape_cast %swap3A_74 : vector<1x16xf32> to vector<16xf32>
      %swap3A_76 = vector.shape_cast %broadcast_in_dim3A_1 : vector<16xf32> to vector<1x16xf32>
      tpu.vector_store %arg9[%swap3A_72, %swap3A_73], %swap3A_76 {strides = array<i32>} : memref<128x128xf32, #tpu.memory_space<vmem>>, vector<1x16xf32>,
      %swap3A_77 = arith.index_cast %scan3A_66 : i32 to index
      %swap3A_78 = arith.constant 32 : index
      %swap3A_79 = tpu.vector_load %arg9[%swap3A_77, %swap3A_78] {strides = array<i32>} : memref<128x128xf32, #tpu.memory_space<vmem>>, vector<1x16xf32>,
      %swap3A_80 = vector.shape_cast %swap3A_79 : vector<1x16xf32> to vector<16xf32>
      %swap3A_81 = vector.shape_cast %broadcast_in_dim3A_1 : vector<16xf32> to vector<1x16xf32>
      tpu.vector_store %arg9[%swap3A_77, %swap3A_78], %swap3A_81 {strides = array<i32>} : memref<128x128xf32, #tpu.memory_space<vmem>>, vector<1x16xf32>,
      %swap3A_82 = arith.index_cast %scan3A_66 : i32 to index
      %swap3A_83 = arith.constant 48 : index
      %swap3A_84 = tpu.vector_load %arg9[%swap3A_82, %swap3A_83] {strides = array<i32>} : memref<128x128xf32, #tpu.memory_space<vmem>>, vector<1x16xf32>,
      %swap3A_85 = vector.shape_cast %swap3A_84 : vector<1x16xf32> to vector<16xf32>
      %swap3A_86 = vector.shape_cast %broadcast_in_dim3A_1 : vector<16xf32> to vector<1x16xf32>
      tpu.vector_store %arg9[%swap3A_82, %swap3A_83], %swap3A_86 {strides = array<i32>} : memref<128x128xf32, #tpu.memory_space<vmem>>, vector<1x16xf32>,
      %swap3A_87 = arith.index_cast %scan3A_66 : i32 to index
      %swap3A_88 = arith.constant 64 : index
      %swap3A_89 = tpu.vector_load %arg9[%swap3A_87, %swap3A_88] {strides = array<i32>} : memref<128x128xf32, #tpu.memory_space<vmem>>, vector<1x16xf32>,
      %swap3A_90 = vector.shape_cast %swap3A_89 : vector<1x16xf32> to vector<16xf32>
      %swap3A_91 = vector.shape_cast %broadcast_in_dim3A_1 : vector<16xf32> to vector<1x16xf32>
      tpu.vector_store %arg9[%swap3A_87, %swap3A_88], %swap3A_91 {strides = array<i32>} : memref<128x128xf32, #tpu.memory_space<vmem>>, vector<1x16xf32>,
      %swap3A_92 = arith.index_cast %scan3A_66 : i32 to index
      %swap3A_93 = arith.constant 80 : index
      %swap3A_94 = tpu.vector_load %arg9[%swap3A_92, %swap3A_93] {strides = array<i32>} : memref<128x128xf32, #tpu.memory_space<vmem>>, vector<1x16xf32>,
      %swap3A_95 = vector.shape_cast %swap3A_94 : vector<1x16xf32> to vector<16xf32>
      %swap3A_96 = vector.shape_cast %broadcast_in_dim3A_1 : vector<16xf32> to vector<1x16xf32>
      tpu.vector_store %arg9[%swap3A_92, %swap3A_93], %swap3A_96 {strides = array<i32>} : memref<128x128xf32, #tpu.memory_space<vmem>>, vector<1x16xf32>,
      %swap3A_97 = arith.index_cast %scan3A_66 : i32 to index
      %swap3A_98 = arith.constant 96 : index
      %swap3A_99 = tpu.vector_load %arg9[%swap3A_97, %swap3A_98] {strides = array<i32>} : memref<128x128xf32, #tpu.memory_space<vmem>>, vector<1x16xf32>,
      %swap3A_100 = vector.shape_cast %swap3A_99 : vector<1x16xf32> to vector<16xf32>
      %swap3A_101 = vector.shape_cast %broadcast_in_dim3A_1 : vector<16xf32> to vector<1x16xf32>
      tpu.vector_store %arg9[%swap3A_97, %swap3A_98], %swap3A_101 {strides = array<i32>} : memref<128x128xf32, #tpu.memory_space<vmem>>, vector<1x16xf32>,
      %swap3A_102 = arith.index_cast %scan3A_66 : i32 to index
      %swap3A_103 = arith.constant 112 : index
      %swap3A_104 = tpu.vector_load %arg9[%swap3A_102, %swap3A_103] {strides = array<i32>} : memref<128x128xf32, #tpu.memory_space<vmem>>, vector<1x16xf32>,
      %swap3A_105 = vector.shape_cast %swap3A_104 : vector<1x16xf32> to vector<16xf32>
      %swap3A_106 = vector.shape_cast %broadcast_in_dim3A_1 : vector<16xf32> to vector<1x16xf32>
      tpu.vector_store %arg9[%swap3A_102, %swap3A_103], %swap3A_106 {strides = array<i32>} : memref<128x128xf32, #tpu.memory_space<vmem>>, vector<1x16xf32>,
      %scan3A_107 = arith.constant 0 : i32
      scf.yield %scan3A_107 : i32
    }
    %scan3A_19 = arith.constant 128 : i32
    %mul3A_20 = arith.constant 64 : i32
    %mul3A_21 = arith.muli %arg1, %mul3A_20 : i32
    "tpu.region"() ({
      %run_scoped3A = tpu.sem_alloc : memref<!tpu.dma_semaphore, #tpu.memory_space<semaphore_mem>>
      %dma_start3A_66 = arith.constant 0 : i32
      %dma_start3A_67 = tpu.memref_slice %arg11[%mul3A_21, %dma_start3A_66] : memref<1024x128xf32, #tpu.memory_space<vmem_shared>> -> memref<64x128xf32, #tpu.memory_space<vmem_shared>>
      %dma_start3A_68 = arith.constant 0 : i32
      %dma_start3A_69 = tpu.memref_slice %arg11[%mul3A_21, %dma_start3A_68] : memref<1024x128xf32, #tpu.memory_space<vmem_shared>> -> memref<64x128xf32, #tpu.memory_space<vmem_shared>>
      tpu.enqueue_dma source(%arg10 : memref<64x128xf32, #tpu.memory_space<vmem>>) target(%dma_start3A_69 : memref<64x128xf32, #tpu.memory_space<vmem_shared>>) target_semaphore(%run_scoped3A : memref<!tpu.dma_semaphore, #tpu.memory_space<semaphore_mem>>)
      %dma_wait3A = arith.constant 0 : i32
      %dma_wait3A_70 = tpu.memref_slice %arg11[%mul3A_21, %dma_wait3A] : memref<1024x128xf32, #tpu.memory_space<vmem_shared>> -> memref<64x128xf32, #tpu.memory_space<vmem_shared>>
      %dma_wait3A_71 = arith.constant 0 : i32
      %dma_wait3A_72 = tpu.memref_slice %arg11[%mul3A_21, %dma_wait3A_71] : memref<1024x128xf32, #tpu.memory_space<vmem_shared>> -> memref<64x128xf32, #tpu.memory_space<vmem_shared>>
      tpu.wait_dma2 semaphore(%run_scoped3A : memref<!tpu.dma_semaphore, #tpu.memory_space<semaphore_mem>>) src(%arg10 : memref<64x128xf32, #tpu.memory_space<vmem>>) dst(%dma_wait3A_72 : memref<64x128xf32, #tpu.memory_space<vmem_shared>>)
      tpu.yield
    }) : () -> ()
    %mul3A_22 = arith.constant 64 : i32
    %mul3A_23 = arith.muli %arg1, %mul3A_22 : i32
    "tpu.region"() ({
      %run_scoped3A = tpu.sem_alloc : memref<!tpu.dma_semaphore, #tpu.memory_space<semaphore_mem>>
      %dma_start3A_66 = arith.constant 0 : i32
      %dma_start3A_67 = tpu.memref_slice %arg12[%mul3A_23, %dma_start3A_66] : memref<1024x128xf32, #tpu.memory_space<vmem_shared>> -> memref<64x128xf32, #tpu.memory_space<vmem_shared>>
      %dma_start3A_68 = arith.constant 0 : i32
      %dma_start3A_69 = tpu.memref_slice %arg12[%mul3A_23, %dma_start3A_68] : memref<1024x128xf32, #tpu.memory_space<vmem_shared>> -> memref<64x128xf32, #tpu.memory_space<vmem_shared>>
      tpu.enqueue_dma source(%arg10 : memref<64x128xf32, #tpu.memory_space<vmem>>) target(%dma_start3A_69 : memref<64x128xf32, #tpu.memory_space<vmem_shared>>) target_semaphore(%run_scoped3A : memref<!tpu.dma_semaphore, #tpu.memory_space<semaphore_mem>>)
      %dma_wait3A = arith.constant 0 : i32
      %dma_wait3A_70 = tpu.memref_slice %arg12[%mul3A_23, %dma_wait3A] : memref<1024x128xf32, #tpu.memory_space<vmem_shared>> -> memref<64x128xf32, #tpu.memory_space<vmem_shared>>
      %dma_wait3A_71 = arith.constant 0 : i32
      %dma_wait3A_72 = tpu.memref_slice %arg12[%mul3A_23, %dma_wait3A_71] : memref<1024x128xf32, #tpu.memory_space<vmem_shared>> -> memref<64x128xf32, #tpu.memory_space<vmem_shared>>
      tpu.wait_dma2 semaphore(%run_scoped3A : memref<!tpu.dma_semaphore, #tpu.memory_space<semaphore_mem>>) src(%arg10 : memref<64x128xf32, #tpu.memory_space<vmem>>) dst(%dma_wait3A_72 : memref<64x128xf32, #tpu.memory_space<vmem_shared>>)
      tpu.yield
    }) : () -> ()
    %barrier3A = arith.constant 0 : index
    tpu.barrier barrier_id(%barrier3A)
    %mul3A_24 = arith.constant 128 : i32
    %mul3A_25 = arith.muli %add3A, %mul3A_24 : i32
    %dma_start3A = arith.constant 0 : i32
    %dma_start3A_26 = arith.constant 0 : i32
    %dma_start3A_27 = arith.constant 0 : i32
    %dma_start3A_28 = arith.constant 0 : i32
    %dma_start3A_29 = tpu.memref_slice %arg6[%dma_start3A, %dma_start3A_27, %dma_start3A_28] : memref<2x128x128xf32, #tpu.memory_space<vmem>> -> memref<1x128x128xf32, #tpu.memory_space<vmem>>
    %dma_start3A_30 = tpu.memref_squeeze %dma_start3A_29 : memref<1x128x128xf32, #tpu.memory_space<vmem>> -> memref<128x128xf32, #tpu.memory_space<vmem>>
    %dma_start3A_31 = arith.constant 0 : i32
    %dma_start3A_32 = tpu.memref_slice %arg2[%mul3A_25, %dma_start3A_31] : memref<100000x128xf32, #tpu.memory_space<hbm>> -> memref<128x128xf32, #tpu.memory_space<hbm>>
    %dma_start3A_33 = tpu.memref_slice %arg13[%dma_start3A_26] : memref<2x!tpu.dma_semaphore, #tpu.memory_space<semaphore_mem>> -> memref<1x!tpu.dma_semaphore, #tpu.memory_space<semaphore_mem>>
    %dma_start3A_34 = tpu.memref_squeeze %dma_start3A_33 : memref<1x!tpu.dma_semaphore, #tpu.memory_space<semaphore_mem>> -> memref<!tpu.dma_semaphore, #tpu.memory_space<semaphore_mem>>
    %dma_start3A_35 = arith.constant 0 : i32
    %dma_start3A_36 = arith.constant 0 : i32
    %dma_start3A_37 = tpu.memref_slice %arg6[%dma_start3A, %dma_start3A_35, %dma_start3A_36] : memref<2x128x128xf32, #tpu.memory_space<vmem>> -> memref<1x128x128xf32, #tpu.memory_space<vmem>>
    %dma_start3A_38 = tpu.memref_squeeze %dma_start3A_37 : memref<1x128x128xf32, #tpu.memory_space<vmem>> -> memref<128x128xf32, #tpu.memory_space<vmem>>
    %dma_start3A_39 = arith.constant 0 : i32
    %dma_start3A_40 = tpu.memref_slice %arg2[%mul3A_25, %dma_start3A_39] : memref<100000x128xf32, #tpu.memory_space<hbm>> -> memref<128x128xf32, #tpu.memory_space<hbm>>
    tpu.enqueue_dma source(%dma_start3A_40 : memref<128x128xf32, #tpu.memory_space<hbm>>) target(%dma_start3A_38 : memref<128x128xf32, #tpu.memory_space<vmem>>) target_semaphore(%dma_start3A_34 : memref<!tpu.dma_semaphore, #tpu.memory_space<semaphore_mem>>)
    %dma_start3A_41 = arith.constant 0 : i32
    %dma_start3A_42 = arith.constant 0 : i32
    %dma_start3A_43 = arith.constant 0 : i32
    %dma_start3A_44 = tpu.memref_slice %arg7[%dma_start3A_41, %dma_start3A_43] : memref<2x128xi32, #tpu.memory_space<vmem>> -> memref<1x128xi32, #tpu.memory_space<vmem>>
    %dma_start3A_45 = tpu.memref_squeeze %dma_start3A_44 : memref<1x128xi32, #tpu.memory_space<vmem>> -> memref<128xi32, #tpu.memory_space<vmem>>
    %dma_start3A_46 = tpu.memref_slice %arg3[%mul3A_25] : memref<100000xi32, #tpu.memory_space<hbm>> -> memref<128xi32, #tpu.memory_space<hbm>>
    %dma_start3A_47 = tpu.memref_slice %arg13[%dma_start3A_42] : memref<2x!tpu.dma_semaphore, #tpu.memory_space<semaphore_mem>> -> memref<1x!tpu.dma_semaphore, #tpu.memory_space<semaphore_mem>>
    %dma_start3A_48 = tpu.memref_squeeze %dma_start3A_47 : memref<1x!tpu.dma_semaphore, #tpu.memory_space<semaphore_mem>> -> memref<!tpu.dma_semaphore, #tpu.memory_space<semaphore_mem>>
    %dma_start3A_49 = arith.constant 0 : i32
    %dma_start3A_50 = tpu.memref_slice %arg7[%dma_start3A_41, %dma_start3A_49] : memref<2x128xi32, #tpu.memory_space<vmem>> -> memref<1x128xi32, #tpu.memory_space<vmem>>
    %dma_start3A_51 = tpu.memref_squeeze %dma_start3A_50 : memref<1x128xi32, #tpu.memory_space<vmem>> -> memref<128xi32, #tpu.memory_space<vmem>>
    %dma_start3A_52 = tpu.memref_slice %arg3[%mul3A_25] : memref<100000xi32, #tpu.memory_space<hbm>> -> memref<128xi32, #tpu.memory_space<hbm>>
    tpu.enqueue_dma source(%dma_start3A_52 : memref<128xi32, #tpu.memory_space<hbm>>) target(%dma_start3A_51 : memref<128xi32, #tpu.memory_space<vmem>>) target_semaphore(%dma_start3A_48 : memref<!tpu.dma_semaphore, #tpu.memory_space<semaphore_mem>>)
    %scan3A_53 = arith.constant 0 : i32
    %scan3A_54 = arith.constant 0 : i32
    %scan3A_55 = arith.constant 13 : i32
    %scan3A_56 = arith.addi %scan3A_54, %scan3A_55 : i32
    %scan3A_57 = arith.constant 1 : i32
    %scan3A_58 = scf.for %scan3A_66 = %scan3A_54 to %scan3A_56 step %scan3A_57 iter_args(%scan3A_67 = %scan3A_53) -> (i32)  : i32 {
      %mul3A_68 = arith.constant 2 : i32
      %mul3A_69 = arith.muli %scan3A_66, %mul3A_68 : i32
      %add3A_70 = arith.constant 0 : i32
      %add3A_71 = arith.addi %mul3A_69, %add3A_70 : i32
      %mul3A_72 = arith.constant 32 : i32
      %mul3A_73 = arith.muli %add3A_71, %mul3A_72 : i32
      %add3A_74 = arith.addi %add3A, %mul3A_73 : i32
      %add3A_75 = arith.constant 32 : i32
      %add3A_76 = arith.addi %add3A_74, %add3A_75 : i32
      %lt3A = arith.constant 781 : i32
      %lt3A_77 = arith.cmpi slt, %add3A_74, %lt3A : i32
      %convert_element_type3A_78 = arith.extui %lt3A_77 : i1 to i32
      %cond3A_79 = arith.constant 0 : i32
      %cond3A_80 = arith.cmpi ne, %convert_element_type3A_78, %cond3A_79 : i32
      scf.if %cond3A_80 {
        %mul3A_94 = arith.constant 128 : i32
        %mul3A_95 = arith.muli %add3A_74, %mul3A_94 : i32
        %dma_wait3A = arith.constant 0 : i32
        %dma_wait3A_96 = arith.constant 0 : i32
        %dma_wait3A_97 = arith.constant 0 : i32
        %dma_wait3A_98 = arith.constant 0 : i32
        %dma_wait3A_99 = tpu.memref_slice %arg6[%dma_wait3A, %dma_wait3A_97, %dma_wait3A_98] : memref<2x128x128xf32, #tpu.memory_space<vmem>> -> memref<1x128x128xf32, #tpu.memory_space<vmem>>
        %dma_wait3A_100 = tpu.memref_squeeze %dma_wait3A_99 : memref<1x128x128xf32, #tpu.memory_space<vmem>> -> memref<128x128xf32, #tpu.memory_space<vmem>>
        %dma_wait3A_101 = arith.constant 0 : i32
        %dma_wait3A_102 = tpu.memref_slice %arg2[%mul3A_95, %dma_wait3A_101] : memref<100000x128xf32, #tpu.memory_space<hbm>> -> memref<128x128xf32, #tpu.memory_space<hbm>>
        %dma_wait3A_103 = tpu.memref_slice %arg13[%dma_wait3A_96] : memref<2x!tpu.dma_semaphore, #tpu.memory_space<semaphore_mem>> -> memref<1x!tpu.dma_semaphore, #tpu.memory_space<semaphore_mem>>
        %dma_wait3A_104 = tpu.memref_squeeze %dma_wait3A_103 : memref<1x!tpu.dma_semaphore, #tpu.memory_space<semaphore_mem>> -> memref<!tpu.dma_semaphore, #tpu.memory_space<semaphore_mem>>
        %dma_wait3A_105 = arith.constant 0 : i32
        %dma_wait3A_106 = arith.constant 0 : i32
        %dma_wait3A_107 = tpu.memref_slice %arg6[%dma_wait3A, %dma_wait3A_105, %dma_wait3A_106] : memref<2x128x128xf32, #tpu.memory_space<vmem>> -> memref<1x128x128xf32, #tpu.memory_space<vmem>>
        %dma_wait3A_108 = tpu.memref_squeeze %dma_wait3A_107 : memref<1x128x128xf32, #tpu.memory_space<vmem>> -> memref<128x128xf32, #tpu.memory_space<vmem>>
        %dma_wait3A_109 = arith.constant 0 : i32
        %dma_wait3A_110 = tpu.memref_slice %arg2[%mul3A_95, %dma_wait3A_109] : memref<100000x128xf32, #tpu.memory_space<hbm>> -> memref<128x128xf32, #tpu.memory_space<hbm>>
        tpu.wait_dma2 semaphore(%dma_wait3A_104 : memref<!tpu.dma_semaphore, #tpu.memory_space<semaphore_mem>>) src(%dma_wait3A_110 : memref<128x128xf32, #tpu.memory_space<hbm>>) dst(%dma_wait3A_108 : memref<128x128xf32, #tpu.memory_space<vmem>>)
        %dma_wait3A_111 = arith.constant 0 : i32
        %dma_wait3A_112 = arith.constant 0 : i32
        %dma_wait3A_113 = arith.constant 0 : i32
        %dma_wait3A_114 = tpu.memref_slice %arg7[%dma_wait3A_111, %dma_wait3A_113] : memref<2x128xi32, #tpu.memory_space<vmem>> -> memref<1x128xi32, #tpu.memory_space<vmem>>
        %dma_wait3A_115 = tpu.memref_squeeze %dma_wait3A_114 : memref<1x128xi32, #tpu.memory_space<vmem>> -> memref<128xi32, #tpu.memory_space<vmem>>
        %dma_wait3A_116 = tpu.memref_slice %arg3[%mul3A_95] : memref<100000xi32, #tpu.memory_space<hbm>> -> memref<128xi32, #tpu.memory_space<hbm>>
        %dma_wait3A_117 = tpu.memref_slice %arg13[%dma_wait3A_112] : memref<2x!tpu.dma_semaphore, #tpu.memory_space<semaphore_mem>> -> memref<1x!tpu.dma_semaphore, #tpu.memory_space<semaphore_mem>>
        %dma_wait3A_118 = tpu.memref_squeeze %dma_wait3A_117 : memref<1x!tpu.dma_semaphore, #tpu.memory_space<semaphore_mem>> -> memref<!tpu.dma_semaphore, #tpu.memory_space<semaphore_mem>>
        %dma_wait3A_119 = arith.constant 0 : i32
        %dma_wait3A_120 = tpu.memref_slice %arg7[%dma_wait3A_111, %dma_wait3A_119] : memref<2x128xi32, #tpu.memory_space<vmem>> -> memref<1x128xi32, #tpu.memory_space<vmem>>
        %dma_wait3A_121 = tpu.memref_squeeze %dma_wait3A_120 : memref<1x128xi32, #tpu.memory_space<vmem>> -> memref<128xi32, #tpu.memory_space<vmem>>
        %dma_wait3A_122 = tpu.memref_slice %arg3[%mul3A_95] : memref<100000xi32, #tpu.memory_space<hbm>> -> memref<128xi32, #tpu.memory_space<hbm>>
        tpu.wait_dma2 semaphore(%dma_wait3A_118 : memref<!tpu.dma_semaphore, #tpu.memory_space<semaphore_mem>>) src(%dma_wait3A_122 : memref<128xi32, #tpu.memory_space<hbm>>) dst(%dma_wait3A_121 : memref<128xi32, #tpu.memory_space<vmem>>)
        %lt3A_123 = arith.constant 781 : i32
        %lt3A_124 = arith.cmpi slt, %add3A_76, %lt3A_123 : i32
        %convert_element_type3A_125 = arith.extui %lt3A_124 : i1 to i32
        %cond3A_126 = arith.constant 0 : i32
        %cond3A_127 = arith.cmpi ne, %convert_element_type3A_125, %cond3A_126 : i32
        scf.if %cond3A_127 {
          %mul3A_143 = arith.constant 128 : i32
          %mul3A_144 = arith.muli %add3A_76, %mul3A_143 : i32
          %dma_start3A_145 = arith.constant 1 : i32
          %dma_start3A_146 = arith.constant 1 : i32
          %dma_start3A_147 = arith.constant 0 : i32
          %dma_start3A_148 = arith.constant 0 : i32
          %dma_start3A_149 = tpu.memref_slice %arg6[%dma_start3A_145, %dma_start3A_147, %dma_start3A_148] : memref<2x128x128xf32, #tpu.memory_space<vmem>> -> memref<1x128x128xf32, #tpu.memory_space<vmem>>
          %dma_start3A_150 = tpu.memref_squeeze %dma_start3A_149 : memref<1x128x128xf32, #tpu.memory_space<vmem>> -> memref<128x128xf32, #tpu.memory_space<vmem>>
          %dma_start3A_151 = arith.constant 0 : i32
          %dma_start3A_152 = tpu.memref_slice %arg2[%mul3A_144, %dma_start3A_151] : memref<100000x128xf32, #tpu.memory_space<hbm>> -> memref<128x128xf32, #tpu.memory_space<hbm>>
          %dma_start3A_153 = tpu.memref_slice %arg13[%dma_start3A_146] : memref<2x!tpu.dma_semaphore, #tpu.memory_space<semaphore_mem>> -> memref<1x!tpu.dma_semaphore, #tpu.memory_space<semaphore_mem>>
          %dma_start3A_154 = tpu.memref_squeeze %dma_start3A_153 : memref<1x!tpu.dma_semaphore, #tpu.memory_space<semaphore_mem>> -> memref<!tpu.dma_semaphore, #tpu.memory_space<semaphore_mem>>
          %dma_start3A_155 = arith.constant 0 : i32
          %dma_start3A_156 = arith.constant 0 : i32
          %dma_start3A_157 = tpu.memref_slice %arg6[%dma_start3A_145, %dma_start3A_155, %dma_start3A_156] : memref<2x128x128xf32, #tpu.memory_space<vmem>> -> memref<1x128x128xf32, #tpu.memory_space<vmem>>
          %dma_start3A_158 = tpu.memref_squeeze %dma_start3A_157 : memref<1x128x128xf32, #tpu.memory_space<vmem>> -> memref<128x128xf32, #tpu.memory_space<vmem>>
          %dma_start3A_159 = arith.constant 0 : i32
          %dma_start3A_160 = tpu.memref_slice %arg2[%mul3A_144, %dma_start3A_159] : memref<100000x128xf32, #tpu.memory_space<hbm>> -> memref<128x128xf32, #tpu.memory_space<hbm>>
          tpu.enqueue_dma source(%dma_start3A_160 : memref<128x128xf32, #tpu.memory_space<hbm>>) target(%dma_start3A_158 : memref<128x128xf32, #tpu.memory_space<vmem>>) target_semaphore(%dma_start3A_154 : memref<!tpu.dma_semaphore, #tpu.memory_space<semaphore_mem>>)
          %dma_start3A_161 = arith.constant 1 : i32
          %dma_start3A_162 = arith.constant 1 : i32
          %dma_start3A_163 = arith.constant 0 : i32
          %dma_start3A_164 = tpu.memref_slice %arg7[%dma_start3A_161, %dma_start3A_163] : memref<2x128xi32, #tpu.memory_space<vmem>> -> memref<1x128xi32, #tpu.memory_space<vmem>>
          %dma_start3A_165 = tpu.memref_squeeze %dma_start3A_164 : memref<1x128xi32, #tpu.memory_space<vmem>> -> memref<128xi32, #tpu.memory_space<vmem>>
          %dma_start3A_166 = tpu.memref_slice %arg3[%mul3A_144] : memref<100000xi32, #tpu.memory_space<hbm>> -> memref<128xi32, #tpu.memory_space<hbm>>
          %dma_start3A_167 = tpu.memref_slice %arg13[%dma_start3A_162] : memref<2x!tpu.dma_semaphore, #tpu.memory_space<semaphore_mem>> -> memref<1x!tpu.dma_semaphore, #tpu.memory_space<semaphore_mem>>
          %dma_start3A_168 = tpu.memref_squeeze %dma_start3A_167 : memref<1x!tpu.dma_semaphore, #tpu.memory_space<semaphore_mem>> -> memref<!tpu.dma_semaphore, #tpu.memory_space<semaphore_mem>>
          %dma_start3A_169 = arith.constant 0 : i32
          %dma_start3A_170 = tpu.memref_slice %arg7[%dma_start3A_161, %dma_start3A_169] : memref<2x128xi32, #tpu.memory_space<vmem>> -> memref<1x128xi32, #tpu.memory_space<vmem>>
          %dma_start3A_171 = tpu.memref_squeeze %dma_start3A_170 : memref<1x128xi32, #tpu.memory_space<vmem>> -> memref<128xi32, #tpu.memory_space<vmem>>
          %dma_start3A_172 = tpu.memref_slice %arg3[%mul3A_144] : memref<100000xi32, #tpu.memory_space<hbm>> -> memref<128xi32, #tpu.memory_space<hbm>>
          tpu.enqueue_dma source(%dma_start3A_172 : memref<128xi32, #tpu.memory_space<hbm>>) target(%dma_start3A_171 : memref<128xi32, #tpu.memory_space<vmem>>) target_semaphore(%dma_start3A_168 : memref<!tpu.dma_semaphore, #tpu.memory_space<semaphore_mem>>)
        } else {
        }
        %dma_start3A_128 = arith.constant 0 : i32
        %dma_start3A_129 = arith.constant 0 : i32
        %dma_start3A_130 = tpu.memref_slice %arg7[%dma_start3A_128, %dma_start3A_129] : memref<2x128xi32, #tpu.memory_space<vmem>> -> memref<1x128xi32, #tpu.memory_space<vmem>>
        %dma_start3A_131 = tpu.memref_squeeze %dma_start3A_130 : memref<1x128xi32, #tpu.memory_space<vmem>> -> memref<128xi32, #tpu.memory_space<vmem>>
        %dma_start3A_132 = arith.constant 0 : i32
        %dma_start3A_133 = arith.constant 0 : i32
        %dma_start3A_134 = tpu.memref_slice %arg12[%dma_start3A_132, %dma_start3A_133] : memref<1024x128xf32, #tpu.memory_space<vmem_shared>> -> memref<1024x128xf32, #tpu.memory_space<vmem_shared>>
        tpu.enqueue_indirect_dma source(%arg9 : memref<128x128xf32, #tpu.memory_space<vmem>>) target(%dma_start3A_134 : memref<1024x128xf32, #tpu.memory_space<vmem_shared>>) offsets(%dma_start3A_131 : memref<128xi32, #tpu.memory_space<vmem>>) semaphore(%arg14 : memref<!tpu.dma_semaphore, #tpu.memory_space<semaphore_mem>>) {add = true}
        %run_scoped3A = arith.constant 0 : i32
        %run_scoped3A_135 = arith.constant 0 : i32
        "tpu.region"() ({
          %run_scoped3A_143 = tpu.sem_alloc : memref<!tpu.dma_semaphore, #tpu.memory_space<semaphore_mem>>
          %dma_start3A_144 = arith.constant 0 : i32
          %dma_start3A_145 = arith.constant 0 : i32
          %dma_start3A_146 = tpu.memref_slice %arg6[%run_scoped3A, %dma_start3A_144, %dma_start3A_145] : memref<2x128x128xf32, #tpu.memory_space<vmem>> -> memref<1x128x128xf32, #tpu.memory_space<vmem>>
          %dma_start3A_147 = tpu.memref_squeeze %dma_start3A_146 : memref<1x128x128xf32, #tpu.memory_space<vmem>> -> memref<128x128xf32, #tpu.memory_space<vmem>>
          %dma_start3A_148 = arith.constant 0 : i32
          %dma_start3A_149 = tpu.memref_slice %arg7[%run_scoped3A_135, %dma_start3A_148] : memref<2x128xi32, #tpu.memory_space<vmem>> -> memref<1x128xi32, #tpu.memory_space<vmem>>
          %dma_start3A_150 = tpu.memref_squeeze %dma_start3A_149 : memref<1x128xi32, #tpu.memory_space<vmem>> -> memref<128xi32, #tpu.memory_space<vmem>>
          %dma_start3A_151 = arith.constant 0 : i32
          %dma_start3A_152 = arith.constant 0 : i32
          %dma_start3A_153 = tpu.memref_slice %arg11[%dma_start3A_151, %dma_start3A_152] : memref<1024x128xf32, #tpu.memory_space<vmem_shared>> -> memref<1024x128xf32, #tpu.memory_space<vmem_shared>>
          tpu.enqueue_indirect_dma source(%dma_start3A_147 : memref<128x128xf32, #tpu.memory_space<vmem>>) target(%dma_start3A_153 : memref<1024x128xf32, #tpu.memory_space<vmem_shared>>) offsets(%dma_start3A_150 : memref<128xi32, #tpu.memory_space<vmem>>) semaphore(%run_scoped3A_143 : memref<!tpu.dma_semaphore, #tpu.memory_space<semaphore_mem>>) {add = true}
          %dma_wait3A_154 = arith.constant 0 : i32
          %dma_wait3A_155 = arith.constant 0 : i32
          %dma_wait3A_156 = tpu.memref_slice %arg6[%run_scoped3A, %dma_wait3A_154, %dma_wait3A_155] : memref<2x128x128xf32, #tpu.memory_space<vmem>> -> memref<1x128x128xf32, #tpu.memory_space<vmem>>
          %dma_wait3A_157 = tpu.memref_squeeze %dma_wait3A_156 : memref<1x128x128xf32, #tpu.memory_space<vmem>> -> memref<128x128xf32, #tpu.memory_space<vmem>>
          %dma_wait3A_158 = arith.constant 0 : i32
          %dma_wait3A_159 = tpu.memref_slice %arg7[%run_scoped3A_135, %dma_wait3A_158] : memref<2x128xi32, #tpu.memory_space<vmem>> -> memref<1x128xi32, #tpu.memory_space<vmem>>
          %dma_wait3A_160 = tpu.memref_squeeze %dma_wait3A_159 : memref<1x128xi32, #tpu.memory_space<vmem>> -> memref<128xi32, #tpu.memory_space<vmem>>
          %dma_wait3A_161 = arith.constant 0 : i32
          %dma_wait3A_162 = arith.constant 0 : i32
          %dma_wait3A_163 = tpu.memref_slice %arg11[%dma_wait3A_161, %dma_wait3A_162] : memref<1024x128xf32, #tpu.memory_space<vmem_shared>> -> memref<1024x128xf32, #tpu.memory_space<vmem_shared>>
          tpu.wait_indirect_dma semaphore(%run_scoped3A_143 : memref<!tpu.dma_semaphore, #tpu.memory_space<semaphore_mem>>) src(%dma_wait3A_157 : memref<128x128xf32, #tpu.memory_space<vmem>>) dst(%dma_wait3A_163 : memref<1024x128xf32, #tpu.memory_space<vmem_shared>>)
          tpu.yield
        }) : () -> ()
        %dma_wait3A_136 = arith.constant 0 : i32
        %dma_wait3A_137 = arith.constant 0 : i32
        %dma_wait3A_138 = tpu.memref_slice %arg7[%dma_wait3A_136, %dma_wait3A_137] : memref<2x128xi32, #tpu.memory_space<vmem>> -> memref<1x128xi32, #tpu.memory_space<vmem>>
        %dma_wait3A_139 = tpu.memref_squeeze %dma_wait3A_138 : memref<1x128xi32, #tpu.memory_space<vmem>> -> memref<128xi32, #tpu.memory_space<vmem>>
        %dma_wait3A_140 = arith.constant 0 : i32
        %dma_wait3A_141 = arith.constant 0 : i32
        %dma_wait3A_142 = tpu.memref_slice %arg12[%dma_wait3A_140, %dma_wait3A_141] : memref<1024x128xf32, #tpu.memory_space<vmem_shared>> -> memref<1024x128xf32, #tpu.memory_space<vmem_shared>>
        tpu.wait_indirect_dma semaphore(%arg14 : memref<!tpu.dma_semaphore, #tpu.memory_space<semaphore_mem>>) src(%arg9 : memref<128x128xf32, #tpu.memory_space<vmem>>) dst(%dma_wait3A_142 : memref<1024x128xf32, #tpu.memory_space<vmem_shared>>)
      } else {
      }
      %add3A_81 = arith.constant 1 : i32
      %add3A_82 = arith.addi %mul3A_69, %add3A_81 : i32
      %mul3A_83 = arith.constant 32 : i32
      %mul3A_84 = arith.muli %add3A_82, %mul3A_83 : i32
      %add3A_85 = arith.addi %add3A, %mul3A_84 : i32
      %add3A_86 = arith.constant 32 : i32
      %add3A_87 = arith.addi %add3A_85, %add3A_86 : i32
      %lt3A_88 = arith.constant 781 : i32
      %lt3A_89 = arith.cmpi slt, %add3A_85, %lt3A_88 : i32
      %convert_element_type3A_90 = arith.extui %lt3A_89 : i1 to i32
      %cond3A_91 = arith.constant 0 : i32
      %cond3A_92 = arith.cmpi ne, %convert_element_type3A_90, %cond3A_91 : i32
      scf.if %cond3A_92 {
        %mul3A_94 = arith.constant 128 : i32
        %mul3A_95 = arith.muli %add3A_85, %mul3A_94 : i32
        %dma_wait3A = arith.constant 1 : i32
        %dma_wait3A_96 = arith.constant 1 : i32
        %dma_wait3A_97 = arith.constant 0 : i32
        %dma_wait3A_98 = arith.constant 0 : i32
        %dma_wait3A_99 = tpu.memref_slice %arg6[%dma_wait3A, %dma_wait3A_97, %dma_wait3A_98] : memref<2x128x128xf32, #tpu.memory_space<vmem>> -> memref<1x128x128xf32, #tpu.memory_space<vmem>>
        %dma_wait3A_100 = tpu.memref_squeeze %dma_wait3A_99 : memref<1x128x128xf32, #tpu.memory_space<vmem>> -> memref<128x128xf32, #tpu.memory_space<vmem>>
        %dma_wait3A_101 = arith.constant 0 : i32
        %dma_wait3A_102 = tpu.memref_slice %arg2[%mul3A_95, %dma_wait3A_101] : memref<100000x128xf32, #tpu.memory_space<hbm>> -> memref<128x128xf32, #tpu.memory_space<hbm>>
        %dma_wait3A_103 = tpu.memref_slice %arg13[%dma_wait3A_96] : memref<2x!tpu.dma_semaphore, #tpu.memory_space<semaphore_mem>> -> memref<1x!tpu.dma_semaphore, #tpu.memory_space<semaphore_mem>>
        %dma_wait3A_104 = tpu.memref_squeeze %dma_wait3A_103 : memref<1x!tpu.dma_semaphore, #tpu.memory_space<semaphore_mem>> -> memref<!tpu.dma_semaphore, #tpu.memory_space<semaphore_mem>>
        %dma_wait3A_105 = arith.constant 0 : i32
        %dma_wait3A_106 = arith.constant 0 : i32
        %dma_wait3A_107 = tpu.memref_slice %arg6[%dma_wait3A, %dma_wait3A_105, %dma_wait3A_106] : memref<2x128x128xf32, #tpu.memory_space<vmem>> -> memref<1x128x128xf32, #tpu.memory_space<vmem>>
        %dma_wait3A_108 = tpu.memref_squeeze %dma_wait3A_107 : memref<1x128x128xf32, #tpu.memory_space<vmem>> -> memref<128x128xf32, #tpu.memory_space<vmem>>
        %dma_wait3A_109 = arith.constant 0 : i32
        %dma_wait3A_110 = tpu.memref_slice %arg2[%mul3A_95, %dma_wait3A_109] : memref<100000x128xf32, #tpu.memory_space<hbm>> -> memref<128x128xf32, #tpu.memory_space<hbm>>
        tpu.wait_dma2 semaphore(%dma_wait3A_104 : memref<!tpu.dma_semaphore, #tpu.memory_space<semaphore_mem>>) src(%dma_wait3A_110 : memref<128x128xf32, #tpu.memory_space<hbm>>) dst(%dma_wait3A_108 : memref<128x128xf32, #tpu.memory_space<vmem>>)
        %dma_wait3A_111 = arith.constant 1 : i32
        %dma_wait3A_112 = arith.constant 1 : i32
        %dma_wait3A_113 = arith.constant 0 : i32
        %dma_wait3A_114 = tpu.memref_slice %arg7[%dma_wait3A_111, %dma_wait3A_113] : memref<2x128xi32, #tpu.memory_space<vmem>> -> memref<1x128xi32, #tpu.memory_space<vmem>>
        %dma_wait3A_115 = tpu.memref_squeeze %dma_wait3A_114 : memref<1x128xi32, #tpu.memory_space<vmem>> -> memref<128xi32, #tpu.memory_space<vmem>>
        %dma_wait3A_116 = tpu.memref_slice %arg3[%mul3A_95] : memref<100000xi32, #tpu.memory_space<hbm>> -> memref<128xi32, #tpu.memory_space<hbm>>
        %dma_wait3A_117 = tpu.memref_slice %arg13[%dma_wait3A_112] : memref<2x!tpu.dma_semaphore, #tpu.memory_space<semaphore_mem>> -> memref<1x!tpu.dma_semaphore, #tpu.memory_space<semaphore_mem>>
        %dma_wait3A_118 = tpu.memref_squeeze %dma_wait3A_117 : memref<1x!tpu.dma_semaphore, #tpu.memory_space<semaphore_mem>> -> memref<!tpu.dma_semaphore, #tpu.memory_space<semaphore_mem>>
        %dma_wait3A_119 = arith.constant 0 : i32
        %dma_wait3A_120 = tpu.memref_slice %arg7[%dma_wait3A_111, %dma_wait3A_119] : memref<2x128xi32, #tpu.memory_space<vmem>> -> memref<1x128xi32, #tpu.memory_space<vmem>>
        %dma_wait3A_121 = tpu.memref_squeeze %dma_wait3A_120 : memref<1x128xi32, #tpu.memory_space<vmem>> -> memref<128xi32, #tpu.memory_space<vmem>>
        %dma_wait3A_122 = tpu.memref_slice %arg3[%mul3A_95] : memref<100000xi32, #tpu.memory_space<hbm>> -> memref<128xi32, #tpu.memory_space<hbm>>
        tpu.wait_dma2 semaphore(%dma_wait3A_118 : memref<!tpu.dma_semaphore, #tpu.memory_space<semaphore_mem>>) src(%dma_wait3A_122 : memref<128xi32, #tpu.memory_space<hbm>>) dst(%dma_wait3A_121 : memref<128xi32, #tpu.memory_space<vmem>>)
        %lt3A_123 = arith.constant 781 : i32
        %lt3A_124 = arith.cmpi slt, %add3A_87, %lt3A_123 : i32
        %convert_element_type3A_125 = arith.extui %lt3A_124 : i1 to i32
        %cond3A_126 = arith.constant 0 : i32
        %cond3A_127 = arith.cmpi ne, %convert_element_type3A_125, %cond3A_126 : i32
        scf.if %cond3A_127 {
          %mul3A_143 = arith.constant 128 : i32
          %mul3A_144 = arith.muli %add3A_87, %mul3A_143 : i32
          %dma_start3A_145 = arith.constant 0 : i32
          %dma_start3A_146 = arith.constant 0 : i32
          %dma_start3A_147 = arith.constant 0 : i32
          %dma_start3A_148 = arith.constant 0 : i32
          %dma_start3A_149 = tpu.memref_slice %arg6[%dma_start3A_145, %dma_start3A_147, %dma_start3A_148] : memref<2x128x128xf32, #tpu.memory_space<vmem>> -> memref<1x128x128xf32, #tpu.memory_space<vmem>>
          %dma_start3A_150 = tpu.memref_squeeze %dma_start3A_149 : memref<1x128x128xf32, #tpu.memory_space<vmem>> -> memref<128x128xf32, #tpu.memory_space<vmem>>
          %dma_start3A_151 = arith.constant 0 : i32
          %dma_start3A_152 = tpu.memref_slice %arg2[%mul3A_144, %dma_start3A_151] : memref<100000x128xf32, #tpu.memory_space<hbm>> -> memref<128x128xf32, #tpu.memory_space<hbm>>
          %dma_start3A_153 = tpu.memref_slice %arg13[%dma_start3A_146] : memref<2x!tpu.dma_semaphore, #tpu.memory_space<semaphore_mem>> -> memref<1x!tpu.dma_semaphore, #tpu.memory_space<semaphore_mem>>
          %dma_start3A_154 = tpu.memref_squeeze %dma_start3A_153 : memref<1x!tpu.dma_semaphore, #tpu.memory_space<semaphore_mem>> -> memref<!tpu.dma_semaphore, #tpu.memory_space<semaphore_mem>>
          %dma_start3A_155 = arith.constant 0 : i32
          %dma_start3A_156 = arith.constant 0 : i32
          %dma_start3A_157 = tpu.memref_slice %arg6[%dma_start3A_145, %dma_start3A_155, %dma_start3A_156] : memref<2x128x128xf32, #tpu.memory_space<vmem>> -> memref<1x128x128xf32, #tpu.memory_space<vmem>>
          %dma_start3A_158 = tpu.memref_squeeze %dma_start3A_157 : memref<1x128x128xf32, #tpu.memory_space<vmem>> -> memref<128x128xf32, #tpu.memory_space<vmem>>
          %dma_start3A_159 = arith.constant 0 : i32
          %dma_start3A_160 = tpu.memref_slice %arg2[%mul3A_144, %dma_start3A_159] : memref<100000x128xf32, #tpu.memory_space<hbm>> -> memref<128x128xf32, #tpu.memory_space<hbm>>
          tpu.enqueue_dma source(%dma_start3A_160 : memref<128x128xf32, #tpu.memory_space<hbm>>) target(%dma_start3A_158 : memref<128x128xf32, #tpu.memory_space<vmem>>) target_semaphore(%dma_start3A_154 : memref<!tpu.dma_semaphore, #tpu.memory_space<semaphore_mem>>)
          %dma_start3A_161 = arith.constant 0 : i32
          %dma_start3A_162 = arith.constant 0 : i32
          %dma_start3A_163 = arith.constant 0 : i32
          %dma_start3A_164 = tpu.memref_slice %arg7[%dma_start3A_161, %dma_start3A_163] : memref<2x128xi32, #tpu.memory_space<vmem>> -> memref<1x128xi32, #tpu.memory_space<vmem>>
          %dma_start3A_165 = tpu.memref_squeeze %dma_start3A_164 : memref<1x128xi32, #tpu.memory_space<vmem>> -> memref<128xi32, #tpu.memory_space<vmem>>
          %dma_start3A_166 = tpu.memref_slice %arg3[%mul3A_144] : memref<100000xi32, #tpu.memory_space<hbm>> -> memref<128xi32, #tpu.memory_space<hbm>>
          %dma_start3A_167 = tpu.memref_slice %arg13[%dma_start3A_162] : memref<2x!tpu.dma_semaphore, #tpu.memory_space<semaphore_mem>> -> memref<1x!tpu.dma_semaphore, #tpu.memory_space<semaphore_mem>>
          %dma_start3A_168 = tpu.memref_squeeze %dma_start3A_167 : memref<1x!tpu.dma_semaphore, #tpu.memory_space<semaphore_mem>> -> memref<!tpu.dma_semaphore, #tpu.memory_space<semaphore_mem>>
          %dma_start3A_169 = arith.constant 0 : i32
          %dma_start3A_170 = tpu.memref_slice %arg7[%dma_start3A_161, %dma_start3A_169] : memref<2x128xi32, #tpu.memory_space<vmem>> -> memref<1x128xi32, #tpu.memory_space<vmem>>
          %dma_start3A_171 = tpu.memref_squeeze %dma_start3A_170 : memref<1x128xi32, #tpu.memory_space<vmem>> -> memref<128xi32, #tpu.memory_space<vmem>>
          %dma_start3A_172 = tpu.memref_slice %arg3[%mul3A_144] : memref<100000xi32, #tpu.memory_space<hbm>> -> memref<128xi32, #tpu.memory_space<hbm>>
          tpu.enqueue_dma source(%dma_start3A_172 : memref<128xi32, #tpu.memory_space<hbm>>) target(%dma_start3A_171 : memref<128xi32, #tpu.memory_space<vmem>>) target_semaphore(%dma_start3A_168 : memref<!tpu.dma_semaphore, #tpu.memory_space<semaphore_mem>>)
        } else {
        }
        %dma_start3A_128 = arith.constant 1 : i32
        %dma_start3A_129 = arith.constant 0 : i32
        %dma_start3A_130 = tpu.memref_slice %arg7[%dma_start3A_128, %dma_start3A_129] : memref<2x128xi32, #tpu.memory_space<vmem>> -> memref<1x128xi32, #tpu.memory_space<vmem>>
        %dma_start3A_131 = tpu.memref_squeeze %dma_start3A_130 : memref<1x128xi32, #tpu.memory_space<vmem>> -> memref<128xi32, #tpu.memory_space<vmem>>
        %dma_start3A_132 = arith.constant 0 : i32
        %dma_start3A_133 = arith.constant 0 : i32
        %dma_start3A_134 = tpu.memref_slice %arg12[%dma_start3A_132, %dma_start3A_133] : memref<1024x128xf32, #tpu.memory_space<vmem_shared>> -> memref<1024x128xf32, #tpu.memory_space<vmem_shared>>
        tpu.enqueue_indirect_dma source(%arg9 : memref<128x128xf32, #tpu.memory_space<vmem>>) target(%dma_start3A_134 : memref<1024x128xf32, #tpu.memory_space<vmem_shared>>) offsets(%dma_start3A_131 : memref<128xi32, #tpu.memory_space<vmem>>) semaphore(%arg14 : memref<!tpu.dma_semaphore, #tpu.memory_space<semaphore_mem>>) {add = true}
        %run_scoped3A = arith.constant 1 : i32
        %run_scoped3A_135 = arith.constant 1 : i32
        "tpu.region"() ({
          %run_scoped3A_143 = tpu.sem_alloc : memref<!tpu.dma_semaphore, #tpu.memory_space<semaphore_mem>>
          %dma_start3A_144 = arith.constant 0 : i32
          %dma_start3A_145 = arith.constant 0 : i32
          %dma_start3A_146 = tpu.memref_slice %arg6[%run_scoped3A, %dma_start3A_144, %dma_start3A_145] : memref<2x128x128xf32, #tpu.memory_space<vmem>> -> memref<1x128x128xf32, #tpu.memory_space<vmem>>
          %dma_start3A_147 = tpu.memref_squeeze %dma_start3A_146 : memref<1x128x128xf32, #tpu.memory_space<vmem>> -> memref<128x128xf32, #tpu.memory_space<vmem>>
          %dma_start3A_148 = arith.constant 0 : i32
          %dma_start3A_149 = tpu.memref_slice %arg7[%run_scoped3A_135, %dma_start3A_148] : memref<2x128xi32, #tpu.memory_space<vmem>> -> memref<1x128xi32, #tpu.memory_space<vmem>>
          %dma_start3A_150 = tpu.memref_squeeze %dma_start3A_149 : memref<1x128xi32, #tpu.memory_space<vmem>> -> memref<128xi32, #tpu.memory_space<vmem>>
          %dma_start3A_151 = arith.constant 0 : i32
          %dma_start3A_152 = arith.constant 0 : i32
          %dma_start3A_153 = tpu.memref_slice %arg11[%dma_start3A_151, %dma_start3A_152] : memref<1024x128xf32, #tpu.memory_space<vmem_shared>> -> memref<1024x128xf32, #tpu.memory_space<vmem_shared>>
          tpu.enqueue_indirect_dma source(%dma_start3A_147 : memref<128x128xf32, #tpu.memory_space<vmem>>) target(%dma_start3A_153 : memref<1024x128xf32, #tpu.memory_space<vmem_shared>>) offsets(%dma_start3A_150 : memref<128xi32, #tpu.memory_space<vmem>>) semaphore(%run_scoped3A_143 : memref<!tpu.dma_semaphore, #tpu.memory_space<semaphore_mem>>) {add = true}
          %dma_wait3A_154 = arith.constant 0 : i32
          %dma_wait3A_155 = arith.constant 0 : i32
          %dma_wait3A_156 = tpu.memref_slice %arg6[%run_scoped3A, %dma_wait3A_154, %dma_wait3A_155] : memref<2x128x128xf32, #tpu.memory_space<vmem>> -> memref<1x128x128xf32, #tpu.memory_space<vmem>>
          %dma_wait3A_157 = tpu.memref_squeeze %dma_wait3A_156 : memref<1x128x128xf32, #tpu.memory_space<vmem>> -> memref<128x128xf32, #tpu.memory_space<vmem>>
          %dma_wait3A_158 = arith.constant 0 : i32
          %dma_wait3A_159 = tpu.memref_slice %arg7[%run_scoped3A_135, %dma_wait3A_158] : memref<2x128xi32, #tpu.memory_space<vmem>> -> memref<1x128xi32, #tpu.memory_space<vmem>>
          %dma_wait3A_160 = tpu.memref_squeeze %dma_wait3A_159 : memref<1x128xi32, #tpu.memory_space<vmem>> -> memref<128xi32, #tpu.memory_space<vmem>>
          %dma_wait3A_161 = arith.constant 0 : i32
          %dma_wait3A_162 = arith.constant 0 : i32
          %dma_wait3A_163 = tpu.memref_slice %arg11[%dma_wait3A_161, %dma_wait3A_162] : memref<1024x128xf32, #tpu.memory_space<vmem_shared>> -> memref<1024x128xf32, #tpu.memory_space<vmem_shared>>
          tpu.wait_indirect_dma semaphore(%run_scoped3A_143 : memref<!tpu.dma_semaphore, #tpu.memory_space<semaphore_mem>>) src(%dma_wait3A_157 : memref<128x128xf32, #tpu.memory_space<vmem>>) dst(%dma_wait3A_163 : memref<1024x128xf32, #tpu.memory_space<vmem_shared>>)
          tpu.yield
        }) : () -> ()
        %dma_wait3A_136 = arith.constant 1 : i32
        %dma_wait3A_137 = arith.constant 0 : i32
        %dma_wait3A_138 = tpu.memref_slice %arg7[%dma_wait3A_136, %dma_wait3A_137] : memref<2x128xi32, #tpu.memory_space<vmem>> -> memref<1x128xi32, #tpu.memory_space<vmem>>
        %dma_wait3A_139 = tpu.memref_squeeze %dma_wait3A_138 : memref<1x128xi32, #tpu.memory_space<vmem>> -> memref<128xi32, #tpu.memory_space<vmem>>
        %dma_wait3A_140 = arith.constant 0 : i32
        %dma_wait3A_141 = arith.constant 0 : i32
        %dma_wait3A_142 = tpu.memref_slice %arg12[%dma_wait3A_140, %dma_wait3A_141] : memref<1024x128xf32, #tpu.memory_space<vmem_shared>> -> memref<1024x128xf32, #tpu.memory_space<vmem_shared>>
        tpu.wait_indirect_dma semaphore(%arg14 : memref<!tpu.dma_semaphore, #tpu.memory_space<semaphore_mem>>) src(%arg9 : memref<128x128xf32, #tpu.memory_space<vmem>>) dst(%dma_wait3A_142 : memref<1024x128xf32, #tpu.memory_space<vmem_shared>>)
      } else {
      }
      %scan3A_93 = arith.constant 0 : i32
      scf.yield %scan3A_93 : i32
    }
    %scan3A_59 = arith.constant 13 : i32
    %eq3A_60 = arith.constant 31 : i32
    %eq3A_61 = arith.cmpi eq, %add3A, %eq3A_60 : i32
    %convert_element_type3A = arith.extui %eq3A_61 : i1 to i32
    %cond3A = arith.constant 0 : i32
    %cond3A_62 = arith.cmpi ne, %convert_element_type3A, %cond3A : i32
    scf.if %cond3A_62 {
      %run_scoped3A = arith.constant 0 : i32
      "tpu.region"() ({
        %run_scoped3A_67 = tpu.sem_alloc : memref<!tpu.dma_semaphore, #tpu.memory_space<semaphore_mem>>
        %dma_start3A_68 = arith.constant 0 : i32
        %dma_start3A_69 = arith.constant 0 : i32
        %dma_start3A_70 = tpu.memref_slice %arg6[%run_scoped3A, %dma_start3A_68, %dma_start3A_69] : memref<2x128x128xf32, #tpu.memory_space<vmem>> -> memref<1x128x128xf32, #tpu.memory_space<vmem>>
        %dma_start3A_71 = tpu.memref_squeeze %dma_start3A_70 : memref<1x128x128xf32, #tpu.memory_space<vmem>> -> memref<128x128xf32, #tpu.memory_space<vmem>>
        %dma_start3A_72 = arith.constant 0 : i32
        %dma_start3A_73 = arith.constant 0 : i32
        %dma_start3A_74 = tpu.memref_slice %dma_start3A_71[%dma_start3A_72, %dma_start3A_73] : memref<128x128xf32, #tpu.memory_space<vmem>> -> memref<32x128xf32, #tpu.memory_space<vmem>>
        %dma_start3A_75 = arith.constant 99968 : i32
        %dma_start3A_76 = arith.constant 0 : i32
        %dma_start3A_77 = tpu.memref_slice %arg2[%dma_start3A_75, %dma_start3A_76] : memref<100000x128xf32, #tpu.memory_space<hbm>> -> memref<32x128xf32, #tpu.memory_space<hbm>>
        %dma_start3A_78 = arith.constant 0 : i32
        %dma_start3A_79 = arith.constant 0 : i32
        %dma_start3A_80 = tpu.memref_slice %arg6[%run_scoped3A, %dma_start3A_78, %dma_start3A_79] : memref<2x128x128xf32, #tpu.memory_space<vmem>> -> memref<1x128x128xf32, #tpu.memory_space<vmem>>
        %dma_start3A_81 = tpu.memref_squeeze %dma_start3A_80 : memref<1x128x128xf32, #tpu.memory_space<vmem>> -> memref<128x128xf32, #tpu.memory_space<vmem>>
        %dma_start3A_82 = arith.constant 0 : i32
        %dma_start3A_83 = arith.constant 0 : i32
        %dma_start3A_84 = tpu.memref_slice %dma_start3A_81[%dma_start3A_82, %dma_start3A_83] : memref<128x128xf32, #tpu.memory_space<vmem>> -> memref<32x128xf32, #tpu.memory_space<vmem>>
        %dma_start3A_85 = arith.constant 99968 : i32
        %dma_start3A_86 = arith.constant 0 : i32
        %dma_start3A_87 = tpu.memref_slice %arg2[%dma_start3A_85, %dma_start3A_86] : memref<100000x128xf32, #tpu.memory_space<hbm>> -> memref<32x128xf32, #tpu.memory_space<hbm>>
        tpu.enqueue_dma source(%dma_start3A_87 : memref<32x128xf32, #tpu.memory_space<hbm>>) target(%dma_start3A_84 : memref<32x128xf32, #tpu.memory_space<vmem>>) target_semaphore(%run_scoped3A_67 : memref<!tpu.dma_semaphore, #tpu.memory_space<semaphore_mem>>)
        %dma_wait3A = arith.constant 0 : i32
        %dma_wait3A_88 = arith.constant 0 : i32
        %dma_wait3A_89 = tpu.memref_slice %arg6[%run_scoped3A, %dma_wait3A, %dma_wait3A_88] : memref<2x128x128xf32, #tpu.memory_space<vmem>> -> memref<1x128x128xf32, #tpu.memory_space<vmem>>
        %dma_wait3A_90 = tpu.memref_squeeze %dma_wait3A_89 : memref<1x128x128xf32, #tpu.memory_space<vmem>> -> memref<128x128xf32, #tpu.memory_space<vmem>>
        %dma_wait3A_91 = arith.constant 0 : i32
        %dma_wait3A_92 = arith.constant 0 : i32
        %dma_wait3A_93 = tpu.memref_slice %dma_wait3A_90[%dma_wait3A_91, %dma_wait3A_92] : memref<128x128xf32, #tpu.memory_space<vmem>> -> memref<32x128xf32, #tpu.memory_space<vmem>>
        %dma_wait3A_94 = arith.constant 99968 : i32
        %dma_wait3A_95 = arith.constant 0 : i32
        %dma_wait3A_96 = tpu.memref_slice %arg2[%dma_wait3A_94, %dma_wait3A_95] : memref<100000x128xf32, #tpu.memory_space<hbm>> -> memref<32x128xf32, #tpu.memory_space<hbm>>
        %dma_wait3A_97 = arith.constant 0 : i32
        %dma_wait3A_98 = arith.constant 0 : i32
        %dma_wait3A_99 = tpu.memref_slice %arg6[%run_scoped3A, %dma_wait3A_97, %dma_wait3A_98] : memref<2x128x128xf32, #tpu.memory_space<vmem>> -> memref<1x128x128xf32, #tpu.memory_space<vmem>>
        %dma_wait3A_100 = tpu.memref_squeeze %dma_wait3A_99 : memref<1x128x128xf32, #tpu.memory_space<vmem>> -> memref<128x128xf32, #tpu.memory_space<vmem>>
        %dma_wait3A_101 = arith.constant 0 : i32
        %dma_wait3A_102 = arith.constant 0 : i32
        %dma_wait3A_103 = tpu.memref_slice %dma_wait3A_100[%dma_wait3A_101, %dma_wait3A_102] : memref<128x128xf32, #tpu.memory_space<vmem>> -> memref<32x128xf32, #tpu.memory_space<vmem>>
        %dma_wait3A_104 = arith.constant 99968 : i32
        %dma_wait3A_105 = arith.constant 0 : i32
        %dma_wait3A_106 = tpu.memref_slice %arg2[%dma_wait3A_104, %dma_wait3A_105] : memref<100000x128xf32, #tpu.memory_space<hbm>> -> memref<32x128xf32, #tpu.memory_space<hbm>>
        tpu.wait_dma2 semaphore(%run_scoped3A_67 : memref<!tpu.dma_semaphore, #tpu.memory_space<semaphore_mem>>) src(%dma_wait3A_106 : memref<32x128xf32, #tpu.memory_space<hbm>>) dst(%dma_wait3A_103 : memref<32x128xf32, #tpu.memory_space<vmem>>)
        tpu.yield
      }) : () -> ()
      "tpu.region"() ({
        %run_scoped3A_67 = tpu.sem_alloc : memref<!tpu.dma_semaphore, #tpu.memory_space<semaphore_mem>>
        %dma_start3A_68 = arith.constant 99968 : i32
        %dma_start3A_69 = tpu.memref_slice %arg3[%dma_start3A_68] : memref<100000xi32, #tpu.memory_space<hbm>> -> memref<32xi32, #tpu.memory_space<hbm>>
        %dma_start3A_70 = arith.constant 99968 : i32
        %dma_start3A_71 = tpu.memref_slice %arg3[%dma_start3A_70] : memref<100000xi32, #tpu.memory_space<hbm>> -> memref<32xi32, #tpu.memory_space<hbm>>
        tpu.enqueue_dma source(%dma_start3A_71 : memref<32xi32, #tpu.memory_space<hbm>>) target(%arg8 : memref<32xi32, #tpu.memory_space<vmem>>) target_semaphore(%run_scoped3A_67 : memref<!tpu.dma_semaphore, #tpu.memory_space<semaphore_mem>>)
        %dma_wait3A = arith.constant 99968 : i32
        %dma_wait3A_72 = tpu.memref_slice %arg3[%dma_wait3A] : memref<100000xi32, #tpu.memory_space<hbm>> -> memref<32xi32, #tpu.memory_space<hbm>>
        %dma_wait3A_73 = arith.constant 99968 : i32
        %dma_wait3A_74 = tpu.memref_slice %arg3[%dma_wait3A_73] : memref<100000xi32, #tpu.memory_space<hbm>> -> memref<32xi32, #tpu.memory_space<hbm>>
        tpu.wait_dma2 semaphore(%run_scoped3A_67 : memref<!tpu.dma_semaphore, #tpu.memory_space<semaphore_mem>>) src(%dma_wait3A_74 : memref<32xi32, #tpu.memory_space<hbm>>) dst(%arg8 : memref<32xi32, #tpu.memory_space<vmem>>)
        tpu.yield
      }) : () -> ()
      %run_scoped3A_66 = arith.constant 0 : i32
      "tpu.region"() ({
        %run_scoped3A_67 = tpu.sem_alloc : memref<!tpu.dma_semaphore, #tpu.memory_space<semaphore_mem>>
        %dma_start3A_68 = arith.constant 0 : i32
        %dma_start3A_69 = arith.constant 0 : i32
        %dma_start3A_70 = tpu.memref_slice %arg6[%run_scoped3A_66, %dma_start3A_68, %dma_start3A_69] : memref<2x128x128xf32, #tpu.memory_space<vmem>> -> memref<1x128x128xf32, #tpu.memory_space<vmem>>
        %dma_start3A_71 = tpu.memref_squeeze %dma_start3A_70 : memref<1x128x128xf32, #tpu.memory_space<vmem>> -> memref<128x128xf32, #tpu.memory_space<vmem>>
        %dma_start3A_72 = arith.constant 0 : i32
        %dma_start3A_73 = arith.constant 0 : i32
        %dma_start3A_74 = tpu.memref_slice %dma_start3A_71[%dma_start3A_72, %dma_start3A_73] : memref<128x128xf32, #tpu.memory_space<vmem>> -> memref<32x128xf32, #tpu.memory_space<vmem>>
        %dma_start3A_75 = arith.constant 0 : i32
        %dma_start3A_76 = arith.constant 0 : i32
        %dma_start3A_77 = tpu.memref_slice %arg11[%dma_start3A_75, %dma_start3A_76] : memref<1024x128xf32, #tpu.memory_space<vmem_shared>> -> memref<1024x128xf32, #tpu.memory_space<vmem_shared>>
        tpu.enqueue_indirect_dma source(%dma_start3A_74 : memref<32x128xf32, #tpu.memory_space<vmem>>) target(%dma_start3A_77 : memref<1024x128xf32, #tpu.memory_space<vmem_shared>>) offsets(%arg8 : memref<32xi32, #tpu.memory_space<vmem>>) semaphore(%run_scoped3A_67 : memref<!tpu.dma_semaphore, #tpu.memory_space<semaphore_mem>>) {add = true}
        %dma_wait3A = arith.constant 0 : i32
        %dma_wait3A_78 = arith.constant 0 : i32
        %dma_wait3A_79 = tpu.memref_slice %arg6[%run_scoped3A_66, %dma_wait3A, %dma_wait3A_78] : memref<2x128x128xf32, #tpu.memory_space<vmem>> -> memref<1x128x128xf32, #tpu.memory_space<vmem>>
        %dma_wait3A_80 = tpu.memref_squeeze %dma_wait3A_79 : memref<1x128x128xf32, #tpu.memory_space<vmem>> -> memref<128x128xf32, #tpu.memory_space<vmem>>
        %dma_wait3A_81 = arith.constant 0 : i32
        %dma_wait3A_82 = arith.constant 0 : i32
        %dma_wait3A_83 = tpu.memref_slice %dma_wait3A_80[%dma_wait3A_81, %dma_wait3A_82] : memref<128x128xf32, #tpu.memory_space<vmem>> -> memref<32x128xf32, #tpu.memory_space<vmem>>
        %dma_wait3A_84 = arith.constant 0 : i32
        %dma_wait3A_85 = arith.constant 0 : i32
        %dma_wait3A_86 = tpu.memref_slice %arg11[%dma_wait3A_84, %dma_wait3A_85] : memref<1024x128xf32, #tpu.memory_space<vmem_shared>> -> memref<1024x128xf32, #tpu.memory_space<vmem_shared>>
        tpu.wait_indirect_dma semaphore(%run_scoped3A_67 : memref<!tpu.dma_semaphore, #tpu.memory_space<semaphore_mem>>) src(%dma_wait3A_83 : memref<32x128xf32, #tpu.memory_space<vmem>>) dst(%dma_wait3A_86 : memref<1024x128xf32, #tpu.memory_space<vmem_shared>>)
        tpu.yield
      }) : () -> ()
      "tpu.region"() ({
        %run_scoped3A_67 = tpu.sem_alloc : memref<!tpu.dma_semaphore, #tpu.memory_space<semaphore_mem>>
        %dma_start3A_68 = arith.constant 0 : i32
        %dma_start3A_69 = arith.constant 0 : i32
        %dma_start3A_70 = tpu.memref_slice %arg9[%dma_start3A_68, %dma_start3A_69] : memref<128x128xf32, #tpu.memory_space<vmem>> -> memref<32x128xf32, #tpu.memory_space<vmem>>
        %dma_start3A_71 = arith.constant 0 : i32
        %dma_start3A_72 = arith.constant 0 : i32
        %dma_start3A_73 = tpu.memref_slice %arg12[%dma_start3A_71, %dma_start3A_72] : memref<1024x128xf32, #tpu.memory_space<vmem_shared>> -> memref<1024x128xf32, #tpu.memory_space<vmem_shared>>
        tpu.enqueue_indirect_dma source(%dma_start3A_70 : memref<32x128xf32, #tpu.memory_space<vmem>>) target(%dma_start3A_73 : memref<1024x128xf32, #tpu.memory_space<vmem_shared>>) offsets(%arg8 : memref<32xi32, #tpu.memory_space<vmem>>) semaphore(%run_scoped3A_67 : memref<!tpu.dma_semaphore, #tpu.memory_space<semaphore_mem>>) {add = true}
        %dma_wait3A = arith.constant 0 : i32
        %dma_wait3A_74 = arith.constant 0 : i32
        %dma_wait3A_75 = tpu.memref_slice %arg9[%dma_wait3A, %dma_wait3A_74] : memref<128x128xf32, #tpu.memory_space<vmem>> -> memref<32x128xf32, #tpu.memory_space<vmem>>
        %dma_wait3A_76 = arith.constant 0 : i32
        %dma_wait3A_77 = arith.constant 0 : i32
        %dma_wait3A_78 = tpu.memref_slice %arg12[%dma_wait3A_76, %dma_wait3A_77] : memref<1024x128xf32, #tpu.memory_space<vmem_shared>> -> memref<1024x128xf32, #tpu.memory_space<vmem_shared>>
        tpu.wait_indirect_dma semaphore(%run_scoped3A_67 : memref<!tpu.dma_semaphore, #tpu.memory_space<semaphore_mem>>) src(%dma_wait3A_75 : memref<32x128xf32, #tpu.memory_space<vmem>>) dst(%dma_wait3A_78 : memref<1024x128xf32, #tpu.memory_space<vmem_shared>>)
        tpu.yield
      }) : () -> ()
    } else {
    }
    %barrier3A_63 = arith.constant 0 : index
    tpu.barrier barrier_id(%barrier3A_63)
    %mul3A_64 = arith.constant 64 : i32
    %mul3A_65 = arith.muli %arg1, %mul3A_64 : i32
    "tpu.region"() ({
      %run_scoped3A = tpu.sem_alloc : memref<!tpu.dma_semaphore, #tpu.memory_space<semaphore_mem>>
      %dma_start3A_66 = arith.constant 0 : i32
      %dma_start3A_67 = tpu.memref_slice %arg4[%arg0, %mul3A_65, %dma_start3A_66] : memref<2x1024x128xf32, #tpu.memory_space<hbm>> -> memref<1x64x128xf32, #tpu.memory_space<hbm>>
      %dma_start3A_68 = tpu.memref_squeeze %dma_start3A_67 : memref<1x64x128xf32, #tpu.memory_space<hbm>> -> memref<64x128xf32, #tpu.memory_space<hbm>>
      %dma_start3A_69 = arith.constant 0 : i32
      %dma_start3A_70 = tpu.memref_slice %arg11[%mul3A_65, %dma_start3A_69] : memref<1024x128xf32, #tpu.memory_space<vmem_shared>> -> memref<64x128xf32, #tpu.memory_space<vmem_shared>>
      tpu.enqueue_dma source(%dma_start3A_70 : memref<64x128xf32, #tpu.memory_space<vmem_shared>>) target(%dma_start3A_68 : memref<64x128xf32, #tpu.memory_space<hbm>>) target_semaphore(%run_scoped3A : memref<!tpu.dma_semaphore, #tpu.memory_space<semaphore_mem>>)
      %dma_wait3A = arith.constant 0 : i32
      %dma_wait3A_71 = tpu.memref_slice %arg4[%arg0, %mul3A_65, %dma_wait3A] : memref<2x1024x128xf32, #tpu.memory_space<hbm>> -> memref<1x64x128xf32, #tpu.memory_space<hbm>>
      %dma_wait3A_72 = tpu.memref_squeeze %dma_wait3A_71 : memref<1x64x128xf32, #tpu.memory_space<hbm>> -> memref<64x128xf32, #tpu.memory_space<hbm>>
      %dma_wait3A_73 = arith.constant 0 : i32
      %dma_wait3A_74 = tpu.memref_slice %arg11[%mul3A_65, %dma_wait3A_73] : memref<1024x128xf32, #tpu.memory_space<vmem_shared>> -> memref<64x128xf32, #tpu.memory_space<vmem_shared>>
      tpu.wait_dma2 semaphore(%run_scoped3A : memref<!tpu.dma_semaphore, #tpu.memory_space<semaphore_mem>>) src(%dma_wait3A_74 : memref<64x128xf32, #tpu.memory_space<vmem_shared>>) dst(%dma_wait3A_72 : memref<64x128xf32, #tpu.memory_space<hbm>>)
      tpu.yield
    }) : () -> ()
    "tpu.region"() ({
      %run_scoped3A = tpu.sem_alloc : memref<!tpu.dma_semaphore, #tpu.memory_space<semaphore_mem>>
      %dma_start3A_66 = arith.constant 0 : i32
      %dma_start3A_67 = tpu.memref_slice %arg5[%arg0, %mul3A_65, %dma_start3A_66] : memref<2x1024x128xf32, #tpu.memory_space<hbm>> -> memref<1x64x128xf32, #tpu.memory_space<hbm>>
      %dma_start3A_68 = tpu.memref_squeeze %dma_start3A_67 : memref<1x64x128xf32, #tpu.memory_space<hbm>> -> memref<64x128xf32, #tpu.memory_space<hbm>>
      %dma_start3A_69 = arith.constant 0 : i32
      %dma_start3A_70 = tpu.memref_slice %arg12[%mul3A_65, %dma_start3A_69] : memref<1024x128xf32, #tpu.memory_space<vmem_shared>> -> memref<64x128xf32, #tpu.memory_space<vmem_shared>>
      tpu.enqueue_dma source(%dma_start3A_70 : memref<64x128xf32, #tpu.memory_space<vmem_shared>>) target(%dma_start3A_68 : memref<64x128xf32, #tpu.memory_space<hbm>>) target_semaphore(%run_scoped3A : memref<!tpu.dma_semaphore, #tpu.memory_space<semaphore_mem>>)
      %dma_wait3A = arith.constant 0 : i32
      %dma_wait3A_71 = tpu.memref_slice %arg5[%arg0, %mul3A_65, %dma_wait3A] : memref<2x1024x128xf32, #tpu.memory_space<hbm>> -> memref<1x64x128xf32, #tpu.memory_space<hbm>>
      %dma_wait3A_72 = tpu.memref_squeeze %dma_wait3A_71 : memref<1x64x128xf32, #tpu.memory_space<hbm>> -> memref<64x128xf32, #tpu.memory_space<hbm>>
      %dma_wait3A_73 = arith.constant 0 : i32
      %dma_wait3A_74 = tpu.memref_slice %arg12[%mul3A_65, %dma_wait3A_73] : memref<1024x128xf32, #tpu.memory_space<vmem_shared>> -> memref<64x128xf32, #tpu.memory_space<vmem_shared>>
      tpu.wait_dma2 semaphore(%run_scoped3A : memref<!tpu.dma_semaphore, #tpu.memory_space<semaphore_mem>>) src(%dma_wait3A_74 : memref<64x128xf32, #tpu.memory_space<vmem_shared>>) dst(%dma_wait3A_72 : memref<64x128xf32, #tpu.memory_space<hbm>>)
      tpu.yield
    }) : () -> ()
    return
  }
}

module attributes {stable_mosaic.version = 14 : i64} {
  func.func @_max_body(%arg0: i32, %arg1: memref<10000x144xbf16, #tpu.memory_space<vmem>>, %arg2: memref<144x64xbf16, #tpu.memory_space<vmem>>, %arg3: memref<1x64xf32, #tpu.memory_space<vmem>>, %arg4: memref<64x1xf32, #tpu.memory_space<vmem>>, %arg5: memref<1x1xf32, #tpu.memory_space<smem>>, %arg6: memref<1xf32, #tpu.memory_space<smem>>) attributes {dimension_semantics = [#tpu.dimension_semantics<arbitrary>], iteration_bounds = array<i64: 10>, scalar_prefetch = 0 : i64, scratch_operands = 1 : i64, tpu.core_type = #tpu.core_type<tc>, window_params = [{transform_indices = @transform_0, window_bounds = array<i64: 10000, 144>}, {pipeline_mode = #tpu.pipeline_mode<synchronous>, transform_indices = @transform_1, window_bounds = array<i64: 144, 64>}, {pipeline_mode = #tpu.pipeline_mode<synchronous>, transform_indices = @transform_2, window_bounds = array<i64: 1, 64>}, {pipeline_mode = #tpu.pipeline_mode<synchronous>, transform_indices = @transform_3, window_bounds = array<i64: 64, 1>}, {transform_indices = @transform_4, window_bounds = array<i64: 1, 1>}]} {
    %get3A = arith.constant 0 : index
    %get3A_0 = arith.constant 0 : index
    %get3A_1 = vector.load %arg1[%get3A, %get3A_0] : memref<10000x144xbf16, #tpu.memory_space<vmem>>, vector<10000x144xbf16>
    %get3A_2 = arith.constant 0 : index
    %get3A_3 = arith.constant 0 : index
    %get3A_4 = vector.load %arg2[%get3A_2, %get3A_3] : memref<144x64xbf16, #tpu.memory_space<vmem>>, vector<144x64xbf16>
    %dot_general3A = arith.constant dense<0.000000e+00> : vector<10000x64xf32>
    %dot_general3A_5 = tpu.matmul %get3A_1, %get3A_4, %dot_general3A {dimension_numbers = #tpu.dot_dimension_numbers<[1], [0], [0], [1], [0, 0, 1, 1], [], []>, transpose_lhs_hint = false} : vector<10000x144xbf16>, vector<144x64xbf16>, vector<10000x64xf32> -> vector<10000x64xf32>
    %get3A_6 = arith.constant 0 : index
    %get3A_7 = arith.constant 0 : index
    %get3A_8 = vector.load %arg3[%get3A_6, %get3A_7] : memref<1x64xf32, #tpu.memory_space<vmem>>, vector<1x64xf32>
    %add3A = vector.broadcast %get3A_8 : vector<1x64xf32> to vector<10000x64xf32>
    %add3A_9 = arith.addf %dot_general3A_5, %add3A : vector<10000x64xf32>
    %max3A = arith.constant 0.000000e+00 : f32
    %max3A_10 = vector.broadcast %max3A : f32 to vector<10000x64xf32>
    %max3A_11 = arith.maximumf %add3A_9, %max3A_10 : vector<10000x64xf32>
    %get3A_12 = arith.constant 0 : index
    %get3A_13 = arith.constant 0 : index
    %get3A_14 = vector.load %arg4[%get3A_12, %get3A_13] : memref<64x1xf32, #tpu.memory_space<vmem>>, vector<64x1xf32>
    %dot_general3A_15 = arith.constant dense<0.000000e+00> : vector<10000x1xf32>
    %dot_general3A_16 = tpu.matmul %max3A_11, %get3A_14, %dot_general3A_15 {dimension_numbers = #tpu.dot_dimension_numbers<[1], [0], [0], [1], [0, 0, 1, 1], [], []>, transpose_lhs_hint = false} : vector<10000x64xf32>, vector<64x1xf32>, vector<10000x1xf32> -> vector<10000x1xf32>
    %reduce_max3A = vector.shape_cast %dot_general3A_16 : vector<10000x1xf32> to vector<1x10000x1xf32>
    %reduce_max3A_17 = arith.constant dense<0xFF800000> : vector<1xf32>
    %reduce_max3A_18 = vector.multi_reduction <maximumf>, %reduce_max3A, %reduce_max3A_17 [1, 2] : vector<1x10000x1xf32> to vector<1xf32>
    %reduce_max3A_19 = vector.shape_cast %reduce_max3A_18 : vector<1xf32> to vector<1x1x1xf32>
    %reduce_max3A_20 = vector.extract %reduce_max3A_19[0, 0, 0] : f32 from vector<1x1x1xf32>
    %eq3A = arith.constant 0 : i32
    %eq3A_21 = arith.cmpi eq, %arg0, %eq3A : i32
    %convert_element_type3A = arith.extui %eq3A_21 : i1 to i32
    %cond3A = arith.constant 0 : i32
    %cond3A_22 = arith.cmpi ne, %convert_element_type3A, %cond3A : i32
    scf.if %cond3A_22 {
      %swap3A = arith.constant 0 : index
      %swap3A_32 = memref.load %arg6[%swap3A] : memref<1xf32, #tpu.memory_space<smem>>
      memref.store %reduce_max3A_20, %arg6[%swap3A] : memref<1xf32, #tpu.memory_space<smem>>
    } else {
    }
    %gt3A = arith.constant 0 : i32
    %gt3A_23 = arith.cmpi sgt, %arg0, %gt3A : i32
    %convert_element_type3A_24 = arith.extui %gt3A_23 : i1 to i32
    %cond3A_25 = arith.constant 0 : i32
    %cond3A_26 = arith.cmpi ne, %convert_element_type3A_24, %cond3A_25 : i32
    scf.if %cond3A_26 {
      %get3A_32 = arith.constant 0 : index
      %get3A_33 = memref.load %arg6[%get3A_32] : memref<1xf32, #tpu.memory_space<smem>>
      %max3A_34 = arith.maximumf %get3A_33, %reduce_max3A_20 : f32
      %swap3A = arith.constant 0 : index
      %swap3A_35 = memref.load %arg6[%swap3A] : memref<1xf32, #tpu.memory_space<smem>>
      memref.store %max3A_34, %arg6[%swap3A] : memref<1xf32, #tpu.memory_space<smem>>
    } else {
    }
    %eq3A_27 = arith.constant 9 : i32
    %eq3A_28 = arith.cmpi eq, %arg0, %eq3A_27 : i32
    %convert_element_type3A_29 = arith.extui %eq3A_28 : i1 to i32
    %cond3A_30 = arith.constant 0 : i32
    %cond3A_31 = arith.cmpi ne, %convert_element_type3A_29, %cond3A_30 : i32
    scf.if %cond3A_31 {
      %get3A_32 = arith.constant 0 : index
      %get3A_33 = memref.load %arg6[%get3A_32] : memref<1xf32, #tpu.memory_space<smem>>
      %swap3A = arith.constant 0 : index
      %swap3A_34 = arith.constant 0 : index
      %swap3A_35 = memref.load %arg5[%swap3A, %swap3A_34] : memref<1x1xf32, #tpu.memory_space<smem>>
      memref.store %get3A_33, %arg5[%swap3A, %swap3A_34] : memref<1x1xf32, #tpu.memory_space<smem>>
    } else {
    }
    return
  }
  func.func @transform_0(%arg0: i32) -> (i32, i32) {
    %c0_i32 = arith.constant 0 : i32
    %c0_i32_0 = arith.constant 0 : i32
    return %arg0, %c0_i32 : i32, i32
  }
  func.func @transform_1(%arg0: i32) -> (i32, i32) {
    %c0_i32 = arith.constant 0 : i32
    %c0_i32_0 = arith.constant 0 : i32
    %c0_i32_1 = arith.constant 0 : i32
    return %c0_i32, %c0_i32_0 : i32, i32
  }
  func.func @transform_2(%arg0: i32) -> (i32, i32) {
    %c0_i32 = arith.constant 0 : i32
    %c0_i32_0 = arith.constant 0 : i32
    %c0_i32_1 = arith.constant 0 : i32
    return %c0_i32, %c0_i32_0 : i32, i32
  }
  func.func @transform_3(%arg0: i32) -> (i32, i32) {
    %c0_i32 = arith.constant 0 : i32
    %c0_i32_0 = arith.constant 0 : i32
    %c0_i32_1 = arith.constant 0 : i32
    return %c0_i32, %c0_i32_0 : i32, i32
  }
  func.func @transform_4(%arg0: i32) -> (i32, i32) {
    %c0_i32 = arith.constant 0 : i32
    %c0_i32_0 = arith.constant 0 : i32
    %c0_i32_1 = arith.constant 0 : i32
    return %c0_i32, %c0_i32_0 : i32, i32
  }
}

module attributes {stable_mosaic.version = 14 : i64} {
  func.func @_vals_body(%arg0: i32, %arg1: memref<10000x144xbf16, #tpu.memory_space<vmem>>, %arg2: memref<144x64xbf16, #tpu.memory_space<vmem>>, %arg3: memref<1x64xf32, #tpu.memory_space<vmem>>, %arg4: memref<64x1xf32, #tpu.memory_space<vmem>>, %arg5: memref<1xf32, #tpu.memory_space<smem>>, %arg6: memref<1xf32, #tpu.memory_space<smem>>, %arg7: memref<10000x128xf32, #tpu.memory_space<vmem>>, %arg8: memref<1x1xf32, #tpu.memory_space<smem>>, %arg9: memref<1xf32, #tpu.memory_space<smem>>) attributes {dimension_semantics = [#tpu.dimension_semantics<arbitrary>], iteration_bounds = array<i64: 10>, scalar_prefetch = 0 : i64, scratch_operands = 1 : i64, tpu.core_type = #tpu.core_type<tc>, window_params = [{transform_indices = @transform_0, window_bounds = array<i64: 10000, 144>}, {pipeline_mode = #tpu.pipeline_mode<synchronous>, transform_indices = @transform_1, window_bounds = array<i64: 144, 64>}, {pipeline_mode = #tpu.pipeline_mode<synchronous>, transform_indices = @transform_2, window_bounds = array<i64: 1, 64>}, {pipeline_mode = #tpu.pipeline_mode<synchronous>, transform_indices = @transform_3, window_bounds = array<i64: 64, 1>}, {transform_indices = @transform_4, window_bounds = array<i64: 1>}, {transform_indices = @transform_5, window_bounds = array<i64: 1>}, {transform_indices = @transform_6, window_bounds = array<i64: 10000, 128>}, {transform_indices = @transform_7, window_bounds = array<i64: 1, 1>}]} {
    %get3A = arith.constant 0 : index
    %get3A_0 = arith.constant 0 : index
    %get3A_1 = vector.load %arg1[%get3A, %get3A_0] : memref<10000x144xbf16, #tpu.memory_space<vmem>>, vector<10000x144xbf16>
    %get3A_2 = arith.constant 0 : index
    %get3A_3 = arith.constant 0 : index
    %get3A_4 = vector.load %arg2[%get3A_2, %get3A_3] : memref<144x64xbf16, #tpu.memory_space<vmem>>, vector<144x64xbf16>
    %dot_general3A = arith.constant dense<0.000000e+00> : vector<10000x64xf32>
    %dot_general3A_5 = tpu.matmul %get3A_1, %get3A_4, %dot_general3A {dimension_numbers = #tpu.dot_dimension_numbers<[1], [0], [0], [1], [0, 0, 1, 1], [], []>, transpose_lhs_hint = false} : vector<10000x144xbf16>, vector<144x64xbf16>, vector<10000x64xf32> -> vector<10000x64xf32>
    %get3A_6 = arith.constant 0 : index
    %get3A_7 = arith.constant 0 : index
    %get3A_8 = vector.load %arg3[%get3A_6, %get3A_7] : memref<1x64xf32, #tpu.memory_space<vmem>>, vector<1x64xf32>
    %add3A = vector.broadcast %get3A_8 : vector<1x64xf32> to vector<10000x64xf32>
    %add3A_9 = arith.addf %dot_general3A_5, %add3A : vector<10000x64xf32>
    %max3A = arith.constant 0.000000e+00 : f32
    %max3A_10 = vector.broadcast %max3A : f32 to vector<10000x64xf32>
    %max3A_11 = arith.maximumf %add3A_9, %max3A_10 : vector<10000x64xf32>
    %get3A_12 = arith.constant 0 : index
    %get3A_13 = arith.constant 0 : index
    %get3A_14 = vector.load %arg4[%get3A_12, %get3A_13] : memref<64x1xf32, #tpu.memory_space<vmem>>, vector<64x1xf32>
    %dot_general3A_15 = arith.constant dense<0.000000e+00> : vector<10000x1xf32>
    %dot_general3A_16 = tpu.matmul %max3A_11, %get3A_14, %dot_general3A_15 {dimension_numbers = #tpu.dot_dimension_numbers<[1], [0], [0], [1], [0, 0, 1, 1], [], []>, transpose_lhs_hint = false} : vector<10000x64xf32>, vector<64x1xf32>, vector<10000x1xf32> -> vector<10000x1xf32>
    %get3A_17 = arith.constant 0 : index
    %get3A_18 = memref.load %arg5[%get3A_17] : memref<1xf32, #tpu.memory_space<smem>>
    %add3A_19 = vector.broadcast %get3A_18 : f32 to vector<10000x1xf32>
    %add3A_20 = arith.addf %dot_general3A_16, %add3A_19 : vector<10000x1xf32>
    %get3A_21 = arith.constant 0 : index
    %get3A_22 = memref.load %arg6[%get3A_21] : memref<1xf32, #tpu.memory_space<smem>>
    %sub3A = vector.broadcast %get3A_22 : f32 to vector<10000x1xf32>
    %sub3A_23 = arith.subf %add3A_20, %sub3A : vector<10000x1xf32>
    %exp3A = math.exp %sub3A_23 : vector<10000x1xf32>
    %get3A_24 = arith.constant 0 : index
    %get3A_25 = arith.constant 0 : index
    %get3A_26 = vector.load %arg1[%get3A_24, %get3A_25] : memref<10000x144xbf16, #tpu.memory_space<vmem>>, vector<10000x128xbf16>
    %convert_element_type3A = arith.extf %get3A_26 : vector<10000x128xbf16> to vector<10000x128xf32>
    %mul3A = vector.broadcast %exp3A : vector<10000x1xf32> to vector<10000x128xf32>
    %mul3A_27 = arith.mulf %mul3A, %convert_element_type3A : vector<10000x128xf32>
    %swap3A = arith.constant 0 : index
    %swap3A_28 = arith.constant 0 : index
    %swap3A_29 = vector.load %arg7[%swap3A, %swap3A_28] : memref<10000x128xf32, #tpu.memory_space<vmem>>, vector<10000x128xf32>
    tpu.vector_store %arg7[%swap3A, %swap3A_28], %mul3A_27 {strides = array<i32>} : memref<10000x128xf32, #tpu.memory_space<vmem>>, vector<10000x128xf32>,
    %reduce_sum3A = vector.shape_cast %exp3A : vector<10000x1xf32> to vector<1x10000x1xf32>
    %reduce_sum3A_30 = arith.constant dense<0.000000e+00> : vector<1xf32>
    %reduce_sum3A_31 = vector.multi_reduction <add>, %reduce_sum3A, %reduce_sum3A_30 [1, 2] : vector<1x10000x1xf32> to vector<1xf32>
    %reduce_sum3A_32 = vector.shape_cast %reduce_sum3A_31 : vector<1xf32> to vector<1x1x1xf32>
    %reduce_sum3A_33 = vector.extract %reduce_sum3A_32[0, 0, 0] : f32 from vector<1x1x1xf32>
    %eq3A = arith.constant 0 : i32
    %eq3A_34 = arith.cmpi eq, %arg0, %eq3A : i32
    %convert_element_type3A_35 = arith.extui %eq3A_34 : i1 to i32
    %cond3A = arith.constant 0 : i32
    %cond3A_36 = arith.cmpi ne, %convert_element_type3A_35, %cond3A : i32
    scf.if %cond3A_36 {
      %swap3A_46 = arith.constant 0 : index
      %swap3A_47 = memref.load %arg9[%swap3A_46] : memref<1xf32, #tpu.memory_space<smem>>
      memref.store %reduce_sum3A_33, %arg9[%swap3A_46] : memref<1xf32, #tpu.memory_space<smem>>
    } else {
    }
    %gt3A = arith.constant 0 : i32
    %gt3A_37 = arith.cmpi sgt, %arg0, %gt3A : i32
    %convert_element_type3A_38 = arith.extui %gt3A_37 : i1 to i32
    %cond3A_39 = arith.constant 0 : i32
    %cond3A_40 = arith.cmpi ne, %convert_element_type3A_38, %cond3A_39 : i32
    scf.if %cond3A_40 {
      %get3A_46 = arith.constant 0 : index
      %get3A_47 = memref.load %arg9[%get3A_46] : memref<1xf32, #tpu.memory_space<smem>>
      %add3A_48 = arith.addf %get3A_47, %reduce_sum3A_33 : f32
      %swap3A_49 = arith.constant 0 : index
      %swap3A_50 = memref.load %arg9[%swap3A_49] : memref<1xf32, #tpu.memory_space<smem>>
      memref.store %add3A_48, %arg9[%swap3A_49] : memref<1xf32, #tpu.memory_space<smem>>
    } else {
    }
    %eq3A_41 = arith.constant 9 : i32
    %eq3A_42 = arith.cmpi eq, %arg0, %eq3A_41 : i32
    %convert_element_type3A_43 = arith.extui %eq3A_42 : i1 to i32
    %cond3A_44 = arith.constant 0 : i32
    %cond3A_45 = arith.cmpi ne, %convert_element_type3A_43, %cond3A_44 : i32
    scf.if %cond3A_45 {
      %get3A_46 = arith.constant 0 : index
      %get3A_47 = memref.load %arg9[%get3A_46] : memref<1xf32, #tpu.memory_space<smem>>
      %swap3A_48 = arith.constant 0 : index
      %swap3A_49 = arith.constant 0 : index
      %swap3A_50 = memref.load %arg8[%swap3A_48, %swap3A_49] : memref<1x1xf32, #tpu.memory_space<smem>>
      memref.store %get3A_47, %arg8[%swap3A_48, %swap3A_49] : memref<1x1xf32, #tpu.memory_space<smem>>
    } else {
    }
    return
  }
  func.func @transform_0(%arg0: i32) -> (i32, i32) {
    %c0_i32 = arith.constant 0 : i32
    %c0_i32_0 = arith.constant 0 : i32
    return %arg0, %c0_i32 : i32, i32
  }
  func.func @transform_1(%arg0: i32) -> (i32, i32) {
    %c0_i32 = arith.constant 0 : i32
    %c0_i32_0 = arith.constant 0 : i32
    %c0_i32_1 = arith.constant 0 : i32
    return %c0_i32, %c0_i32_0 : i32, i32
  }
  func.func @transform_2(%arg0: i32) -> (i32, i32) {
    %c0_i32 = arith.constant 0 : i32
    %c0_i32_0 = arith.constant 0 : i32
    %c0_i32_1 = arith.constant 0 : i32
    return %c0_i32, %c0_i32_0 : i32, i32
  }
  func.func @transform_3(%arg0: i32) -> (i32, i32) {
    %c0_i32 = arith.constant 0 : i32
    %c0_i32_0 = arith.constant 0 : i32
    %c0_i32_1 = arith.constant 0 : i32
    return %c0_i32, %c0_i32_0 : i32, i32
  }
  func.func @transform_4(%arg0: i32) -> i32 {
    %c0_i32 = arith.constant 0 : i32
    %c0_i32_0 = arith.constant 0 : i32
    return %c0_i32 : i32
  }
  func.func @transform_5(%arg0: i32) -> i32 {
    %c0_i32 = arith.constant 0 : i32
    %c0_i32_0 = arith.constant 0 : i32
    return %c0_i32 : i32
  }
  func.func @transform_6(%arg0: i32) -> (i32, i32) {
    %c0_i32 = arith.constant 0 : i32
    %c0_i32_0 = arith.constant 0 : i32
    return %arg0, %c0_i32 : i32, i32
  }
  func.func @transform_7(%arg0: i32) -> (i32, i32) {
    %c0_i32 = arith.constant 0 : i32
    %c0_i32_0 = arith.constant 0 : i32
    %c0_i32_1 = arith.constant 0 : i32
    return %c0_i32, %c0_i32_0 : i32, i32
  }
}

module attributes {stable_mosaic.version = 14 : i64} {
  func.func @_merge_body(%arg0: i32, %arg1: memref<2x1024x128xf32, #tpu.memory_space<vmem>>, %arg2: memref<2x1024x128xf32, #tpu.memory_space<vmem>>, %arg3: memref<1xf32, #tpu.memory_space<smem>>, %arg4: memref<1024x128xf32, #tpu.memory_space<vmem>>) attributes {dimension_semantics = [#tpu.dimension_semantics<arbitrary>], iteration_bounds = array<i64: 1>, scalar_prefetch = 0 : i64, scratch_operands = 0 : i64, tpu.core_type = #tpu.core_type<tc>, window_params = [{pipeline_mode = #tpu.pipeline_mode<synchronous>, transform_indices = @transform_0, window_bounds = array<i64: 2, 1024, 128>}, {pipeline_mode = #tpu.pipeline_mode<synchronous>, transform_indices = @transform_1, window_bounds = array<i64: 2, 1024, 128>}, {transform_indices = @transform_2, window_bounds = array<i64: 1>}, {pipeline_mode = #tpu.pipeline_mode<synchronous>, transform_indices = @transform_3, window_bounds = array<i64: 1024, 128>}]} {
    %get3A = arith.constant 0 : index
    %get3A_0 = arith.constant 0 : index
    %get3A_1 = arith.constant 0 : index
    %get3A_2 = vector.load %arg1[%get3A, %get3A_0, %get3A_1] : memref<2x1024x128xf32, #tpu.memory_space<vmem>>, vector<1x1024x128xf32>
    %get3A_3 = vector.shape_cast %get3A_2 : vector<1x1024x128xf32> to vector<1024x128xf32>
    %get3A_4 = arith.constant 1 : index
    %get3A_5 = arith.constant 0 : index
    %get3A_6 = arith.constant 0 : index
    %get3A_7 = vector.load %arg1[%get3A_4, %get3A_5, %get3A_6] : memref<2x1024x128xf32, #tpu.memory_space<vmem>>, vector<1x1024x128xf32>
    %get3A_8 = vector.shape_cast %get3A_7 : vector<1x1024x128xf32> to vector<1024x128xf32>
    %add3A = arith.addf %get3A_3, %get3A_8 : vector<1024x128xf32>
    %get3A_9 = arith.constant 0 : index
    %get3A_10 = arith.constant 0 : index
    %get3A_11 = arith.constant 0 : index
    %get3A_12 = vector.load %arg2[%get3A_9, %get3A_10, %get3A_11] : memref<2x1024x128xf32, #tpu.memory_space<vmem>>, vector<1x1024x1xf32>
    %get3A_13 = vector.shape_cast %get3A_12 : vector<1x1024x1xf32> to vector<1024x1xf32>
    %get3A_14 = arith.constant 1 : index
    %get3A_15 = arith.constant 0 : index
    %get3A_16 = arith.constant 0 : index
    %get3A_17 = vector.load %arg2[%get3A_14, %get3A_15, %get3A_16] : memref<2x1024x128xf32, #tpu.memory_space<vmem>>, vector<1x1024x1xf32>
    %get3A_18 = vector.shape_cast %get3A_17 : vector<1x1024x1xf32> to vector<1024x1xf32>
    %add3A_19 = arith.addf %get3A_13, %get3A_18 : vector<1024x1xf32>
    %get3A_20 = arith.constant 0 : index
    %get3A_21 = memref.load %arg3[%get3A_20] : memref<1xf32, #tpu.memory_space<smem>>
    %max3A = arith.constant 1.000000e+00 : f32
    %max3A_22 = vector.broadcast %max3A : f32 to vector<1024x1xf32>
    %max3A_23 = arith.maximumf %add3A_19, %max3A_22 : vector<1024x1xf32>
    %mul3A = vector.broadcast %get3A_21 : f32 to vector<1024x1xf32>
    %mul3A_24 = arith.mulf %mul3A, %max3A_23 : vector<1024x1xf32>
    %div3A = vector.broadcast %mul3A_24 : vector<1024x1xf32> to vector<1024x128xf32>
    %div3A_25 = arith.divf %add3A, %div3A : vector<1024x128xf32>
    %swap3A = arith.constant 0 : index
    %swap3A_26 = arith.constant 0 : index
    %swap3A_27 = vector.load %arg4[%swap3A, %swap3A_26] : memref<1024x128xf32, #tpu.memory_space<vmem>>, vector<1024x128xf32>
    tpu.vector_store %arg4[%swap3A, %swap3A_26], %div3A_25 {strides = array<i32>} : memref<1024x128xf32, #tpu.memory_space<vmem>>, vector<1024x128xf32>,
    return
  }
  func.func @transform_0(%arg0: i32) -> (i32, i32, i32) {
    %c0_i32 = arith.constant 0 : i32
    %c0_i32_0 = arith.constant 0 : i32
    %c0_i32_1 = arith.constant 0 : i32
    %c0_i32_2 = arith.constant 0 : i32
    return %c0_i32, %c0_i32_0, %c0_i32_1 : i32, i32, i32
  }
  func.func @transform_1(%arg0: i32) -> (i32, i32, i32) {
    %c0_i32 = arith.constant 0 : i32
    %c0_i32_0 = arith.constant 0 : i32
    %c0_i32_1 = arith.constant 0 : i32
    %c0_i32_2 = arith.constant 0 : i32
    return %c0_i32, %c0_i32_0, %c0_i32_1 : i32, i32, i32
  }
  func.func @transform_2(%arg0: i32) -> i32 {
    %c0_i32 = arith.constant 0 : i32
    %c0_i32_0 = arith.constant 0 : i32
    return %c0_i32 : i32
  }
  func.func @transform_3(%arg0: i32) -> (i32, i32) {
    %c0_i32 = arith.constant 0 : i32
    %c0_i32_0 = arith.constant 0 : i32
    %c0_i32_1 = arith.constant 0 : i32
    return %c0_i32, %c0_i32_0 : i32, i32
  }
}

</mosaic_0001>

<sc_bundles>
// kernel: kernel.6.cloned.1.call-start
scs
__scs_entry_jumppad:
0x0: {  	(pc) =	sbr.rel $0x88, $3  }
0x1: {  	(tag) =	ssettag $0x0;
	lr =	simm.s32 $0x1  }
0x2: {  	[smem:$0x3F9B] =	sst lr;
	_ =	strace $0xD0000000  }
0x3: {  	_ = 	snop  }
0x4: {  	_ = 	snop  }
0x5: {  	_ = 	snop  }
0x6: {  	_ = 	snop  }
0x7: {  	_ = 	snop  }
__scs_overlays_trampoline_lowered:
0x8: {  	[smem:$0x3FAA] =	sst s0  }
0x9: {  	[smem:$0x3FAB] =	sst s1  }
0xa: {  	[smem:$0x3FAC] =	sst s2  }
0xb: {  	[smem:$0x3FAD] =	sst s3  }
0xc: {  	[smem:$0x3FAE] =	sst s4  }
0xd: {  	[smem:$0x3FAF] =	sst s5  }
0xe: {  	[smem:$0x3FB0] =	sst s6  }
0xf: {  	[smem:$0x3FB1] =	sst s7  }
0x10: {  	[smem:$0x3FB2] =	sst s8  }
0x11: {  	[smem:$0x3FB3] =	sst s9;
	s0 =	simm.s32 @!p0 $0x0  }
0x12: {  	s1 =	sld [smem:$0x3F99];
	s0 =	simm.s32 @p0 $0x1  }
0x13: {  	[smem:$0x3FB4] =	sst s0;
	s0 =	simm.s32 @!p1 $0x0  }
0x14: {  	s2 =	sld [smem:$0x3F98];
	s0 =	simm.s32 @p1 $0x1  }
0x15: {  	[smem:$0x3FB5] =	sst s0;
	s0 =	simm.s32 @!p2 $0x0  }
0x16: {  	s3 =	sld [smem:$0x3FDB];
	s0 =	simm.s32 @p2 $0x1  }
0x17: {  	s4 =	simm.s32 $0x1BF5;
	[smem:$0x3FB7] =	sst s0  }
0x18: {  	s0 =	sld [smem:$0x3F9A];
	_ =	swait.ge [sflag:s4], $0x0  }
0x19: {  	s7 =	sld [smem:$0x3F9B]  }
0x1a: {  	s8 =	sadd.s32 $0xFFFFE003, lr  }
0x1b: {  	s9 =	sadd.s32 $0xFFFFFEF7, lr;
	s5 =	simm.s32 $0xFFFFFFFF;
	p2 =	slt.u32 s8, $0xFFFFF086  }
0x1c: {  	p1 =	slt.u32 s9, $0xF7A;
	s5 =	simm.s32 @!p2 $0x0  }
0x1d: {  	s5 =	simm.s32 @p1 $0x1;
	p0 =	seq.s32 s7, s2  }
0x1e: {  	s7 =	smul.u32 @!p0 $0xF7A, s2;
	p2 =	seq.s32 @!p0 s5, $0x0  }
0x1f: {  	s9 =	smul.u32 $0xF7A, s1;
	s8 =	simm.s32 @!p0 $0x1BF5;
	p2 =	por !p2, p0  }
0x20: {  	[sflag:s8] =	ssyncset.s32 @!p0 $0xFFFFF086;
	s6 =	sadd.s32 @!p0 s3, s7;
	s7 =	simm.s32 @!p0 $0x108  }
0x21: {  	s3 =	sadd.s32 s3, s9;
	s6 =	sadd.s32 @!p0 $0x88, s6;
	s7 =	simm.s32 @p2 $0x1082  }
0x22: {  	[simem:s7], [sflag:s8] =	dma.local @!p0 [hbm:s6], $0xF7A  }
0x23: {  	s9 =	sor.u32 $0xD0000000, s2;
	s6 =	simm.s32 $0x108;
	_ =	swait.ge @!p0 [sflag:s8], $0x0  }
0x24: {  	s3 =	sadd.s32 $0x88, s3;
	s6 =	simm.s32 @!p1 $0x1082;
	[sflag:s4] =	ssyncset.s32 $0xFFFFF086  }
0x25: {  	[simem:s6], [sflag:s4] =	dma.local [hbm:s3], $0xF7A  }
0x26: {  	[smem:$0x3F9B] =	sst s1;
	(tag) =	ssettag s2;
	_ =	strace s9  }
0x27: {  	s1 =	sld [smem:$0x3FAB]  }
0x28: {  	s2 =	sld [smem:$0x3FAC]  }
0x29: {  	s4 =	sld [smem:$0x3FAE]  }
0x2a: {  	p0 =	seq.s32 s5, $0x0;
	s5 =	sld [smem:$0x3FAF]  }
0x2b: {  	s6 =	sld [smem:$0x3FB0]  }
0x2c: {  	s7 =	sld [smem:$0x3FB1]  }
0x2d: {  	s3 =	simm.s32 $0x108;
	s8 =	sld [smem:$0x3FB2]  }
0x2e: {  	s3 =	simm.s32 @!p0 $0x1082;
	s9 =	sld [smem:$0x3FB3]  }
0x2f: {  	lr =	sadd.s32 s0, s3;
	s0 =	sld [smem:$0x3FAA]  }
0x30: {  	s3 =	sld [smem:$0x3FAD]  }
0x31: {  	[smem:$0x3FB6] =	sst s10  }
0x32: {  	s10 =	sld [smem:$0x3FB4];
	_ =	sdelay $0x3  }
0x33: {  	p0 =	seq.s32 s10, $0x1;
	s10 =	sld [smem:$0x3FB6];
	_ =	sdelay $0x3  }
0x34: {  	[smem:$0x3FB6] =	sst s10  }
0x35: {  	s10 =	sld [smem:$0x3FB5];
	_ =	sdelay $0x3  }
0x36: {  	p1 =	seq.s32 s10, $0x1;
	s10 =	sld [smem:$0x3FB6];
	_ =	sdelay $0x3  }
0x37: {  	[smem:$0x3FB6] =	sst s10  }
0x38: {  	s10 =	sld [smem:$0x3FB7]  }
0x39: {  	_ = 	snop;
	(pc) =	sbr.ind lr, $3  }
0x3a: {  	_ = 	snop  }
0x3b: {  	_ = 	snop  }
0x3c: {  	p2 =	seq.s32 s10, $0x1;
	s10 =	sld [smem:$0x3FB6]  }
0x3d: {  	_ =	shalt  }
0x3e: {  	_ =	shalt  }
0x3f: {  	_ =	shalt  }
0x40: {  	_ =	shalt  }
0x41: {  	_ =	shalt  }
0x42: {  	_ =	shalt  }
0x43: {  	_ =	shalt  }
0x44: {  	_ =	shalt  }
0x45: {  	_ =	shalt  }
0x46: {  	_ =	shalt  }
0x47: {  	_ =	shalt  }
0x48: {  	_ =	shalt  }
0x49: {  	_ =	shalt  }
0x4a: {  	_ =	shalt  }
0x4b: {  	_ =	shalt  }
0x4c: {  	_ =	shalt  }
0x4d: {  	_ =	shalt  }
0x4e: {  	_ =	shalt  }
0x4f: {  	_ =	shalt  }
0x50: {  	_ =	shalt  }
0x51: {  	_ =	shalt  }
0x52: {  	_ =	shalt  }
0x53: {  	_ =	shalt  }
0x54: {  	_ =	shalt  }
0x55: {  	_ =	shalt  }
0x56: {  	_ =	shalt  }
0x57: {  	_ =	shalt  }
0x58: {  	_ =	shalt  }
0x59: {  	_ =	shalt  }
0x5a: {  	_ =	shalt  }
0x5b: {  	_ =	shalt  }
0x5c: {  	_ =	shalt  }
0x5d: {  	_ =	shalt  }
0x5e: {  	_ =	shalt  }
0x5f: {  	_ =	shalt  }
0x60: {  	_ =	shalt  }
0x61: {  	_ =	shalt  }
0x62: {  	_ =	shalt  }
0x63: {  	_ =	shalt  }
0x64: {  	_ =	shalt  }
0x65: {  	_ =	shalt  }
0x66: {  	_ =	shalt  }
0x67: {  	_ =	shalt  }
0x68: {  	_ =	shalt  }
0x69: {  	_ =	shalt  }
0x6a: {  	_ =	shalt  }
0x6b: {  	_ =	shalt  }
0x6c: {  	_ =	shalt  }
0x6d: {  	_ =	shalt  }
0x6e: {  	_ =	shalt  }
0x6f: {  	_ =	shalt  }
0x70: {  	_ =	shalt  }
0x71: {  	_ =	shalt  }
0x72: {  	_ =	shalt  }
0x73: {  	_ =	shalt  }
0x74: {  	_ =	shalt  }
0x75: {  	_ =	shalt  }
0x76: {  	_ =	shalt  }
0x77: {  	_ =	shalt  }
0x78: {  	_ =	shalt  }
0x79: {  	_ =	shalt  }
0x7a: {  	_ =	shalt  }
0x7b: {  	_ =	shalt  }
0x7c: {  	_ =	shalt  }
0x7d: {  	_ =	shalt  }
0x7e: {  	_ =	shalt  }
0x7f: {  	_ =	shalt  }
0x80: {  	_ =	shalt  }
0x81: {  	_ =	shalt  }
0x82: {  	_ =	shalt  }
0x83: {  	_ =	shalt  }
0x84: {  	_ =	shalt  }
0x85: {  	_ =	shalt  }
0x86: {  	_ =	shalt  }
0x87: {  	_ =	shalt  }
.Lfunc_end0:
.L_simem_size_0:
called_computation_lowered:
.L_overlay_start_0:
0x88: {  	s2 =	sld [smem:$0x3FD9]  }
0x89: {  	s3 =	sld [smem:$0x3FFE];
	_ =	sdelay $0x1  }
0x8a: {  	s1 =	srdreg.scid  }
0x8b: {  	s0 =	sand.u32 $0x1, s1  }
0x8c: {  	s17 =	sshll.u32 s0, $0xA;
	s2 =	sadd.s32 s3, s2  }
0x8d: {  	s2 =	sadd.s32 s2, s17  }
0x8e: {  	[smem:$0x3FC2] =	sst s2  }
0x8f: {  	_ = 	snop  }
0x90: {  	s2 =	sld [smem:$0x3FC8];
	(tm) =	ssettm $0x1  }
0x91: {  	s18 =	sld [smem:$0x3FFB];
	_ =	sdelay $0x3  }
0x92: {  	_ =	strace s18  }
0x93: {  	s3 =	sld [smem:$0x3FFC];
	_ =	sdelay $0x3  }
0x94: {  	_ =	strace s3  }
0x95: {  	s3 =	sld [smem:$0x3FFD];
	_ =	sdelay $0x3  }
0x96: {  	_ =	strace s3  }
0x97: {  	_ =	strace $0x8FFFFFFF  }
0x98: {  	s19 =	sld [smem:$0x3FDB];
	_ =	sdelay $0x1  }
0x99: {  	s4 =	simm.s32 $_scs_section_size  }
0x9a: {  	s5 =	simm.s32 $_size__tile_overlayer_lowered;
	s6 =	simm.s32 $_tile_overlayer_lowered  }
0x9b: {  	s22 =	simm.s32 $0x1BFF;
	s21 =	sshll.u32 s6, $0x1;
	s3 =	sadd.s32 s4, s19  }
0x9c: {  	s7 =	simm.s32 $0x0;
	s20 =	sshll.u32 s5, $0x1;
	s5 =	sadd.s32 s21, s3  }
0x9d: {  	[timem:s7], [sflag:s22] =	dma.local [hbm:s5], s20  }
0x9e: {  	_ =	swait.ge [sflag:s22], s20  }
0x9f: {  	s4 =	ssub.s32 $0x0, s20;
	[sflag:s22] =	ssyncset.done $0x0  }
0xa0: {  	[sflag:s22] =	ssyncadd.s32 s4;
	_ =	sdelay $0x1  }
0xa1: {  	s23 =	simm.s32 $0x1B8B  }
0xa2: {  	_ =	swait.ge [sflag:s23], $0x1  }
0xa3: {  	[sflag:s23] =	ssyncset.done $0x0  }
0xa4: {  	s25 =	simm.s32 $0x1B8E;
	s24 =	sld [smem:$0x3FFE];
	[sflag:s23] =	ssyncadd.s32 $0xFFFFFFFF  }
0xa5: {  	s26 =	simm.s32 $execute0_lowered;
	[smem:$0x3FD2] =	sst s25  }
0xa6: {  	s5 =	sshll.u32 s26, $0x1;
	_ =	strace $0x80000046;
	[dreg:$0x1] =	wrdreg $0xFFFFFFFF  }
0xa7: {  	s28 =	simm.s32 $_size_execute0_lowered;
	s3 =	sadd.s32 s3, s5;
	[dreg:$0x0] =	wrdreg $0x0  }
0xa8: {  	s5 =	sshll.u32 s28, $0x1;
	[dreg:$0x2] =	wrdreg s3  }
0xa9: {  	[dreg:$0x3] =	wrdreg s5  }
0xaa: {  	[dreg:$0x4] =	wrdreg $0xC0  }
0xab: {  	_ =	task [dreg:s7], $0x5FFFF  }
0xac: {  	[dreg:$0x1] =	wrdreg $0xFFFFFFFF  }
0xad: {  	[dreg:$0x0] =	wrdreg $0x60  }
0xae: {  	[dreg:$0x2] =	wrdreg s24  }
0xaf: {  	[dreg:$0x3] =	wrdreg s2  }
0xb0: {  	[dreg:$0x4] =	wrdreg $0xE1800  }
0xb1: {  	[dreg:$0x5] =	wrdreg $0x101800  }
0xb2: {  	[dreg:$0x6] =	wrdreg $0x9  }
0xb3: {  	_ =	task.clear_ibuf [dreg:s7], $0x7FFFF;
	_ =	strace $0x90000046  }
0xb4: {  	s29 =	simm.s32 $0x9;
	_ =	strace $0x80000048  }
0xb5: {  	_ =	swait.ge [sflag:s29], $0x1  }
0xb6: {  	[sflag:s29] =	ssyncadd.s32 $0xFFFFFFFF  }
0xb7: {  	_ =	strace $0x90000048  }
0xb8: {  	_ =	sfence  }
0xb9: {  	s30 =	sld [smem:$0x0];
	_ =	sdelay $0x2  }
0xba: {  	s31 =	sshll.u32 s1, $0xD;
	s1 =	sshrl.u32 s1, $0x2  }
0xbb: {  	s3 =	sand.u32 $0x4000, s31;
	s1 =	sadd.s32 s1, s30  }
0xbc: {  	s0 =	sor.u32 s3, s0;
	s1 =	sshll.u32 s1, $0x11  }
0xbd: {  	s0 =	sor.u32 s1, s0  }
0xbe: {  	s0 =	sadd.s32 $0x8F2B, s0  }
0xbf: {  	[sflag:s0] =	ssyncadd.remote.s32 $0x1  }
0xc0: {  	_ =	sfence.sel $0xFFFF  }
0xc1: {  	[dreg:$0x0] =	wrdreg $0xFFFFFFFF;
	(pc) =	sbr.abs _section_cstart, $3  }
0xc2: {  	[dreg:$0x1] =	wrdreg $0xFFFFFFFF  }
0xc3: {  	_ =	task.clear_ibuf [dreg:s7], $0x2FFFF;
	_ =	strace $0x9FFFFFFF  }
0xc4: {  	(tm) =	ssettm $0x7FFFFFFF  }
0xc5: {  	_ =	shalt  }
tec
execute0_lowered:
.L_overlay_start_1:
0x0: {  	(tag) =	ssettag $0x1  }
0x1: {  	s9 =	rddreg [dreg:$0x0]  }
0x2: {  	s14 =	rddreg [dreg:$0x1]  }
0x3: {  	s1 =	rddreg [dreg:$0x2]  }
0x4: {  	s2 =	rddreg [dreg:$0x3]  }
0x5: {  	s4 =	simm.s32 $0x0;
	s5 =	srdreg.scid;
	s0 =	stileid.u32  }
0x6: {  	s19 =	simm.s32 $0x8000;
	s20 =	simm.s32 $0x1;
	s21 =	simm.s32 $0x4000  }
0x7: {  	s22 =	simm.s32 $0x8080;
	s23 =	simm.s32 $0x80;
	s26 =	simm.s32 $0x2  }
0x8: {  	s28 =	simm.s32 $0x0;
	[smem:$0x7FF] =	sst s4;
	s15 =	sand.u32 $0x1, s5  }
0x9: {  	s6 =	sshll.u32 s0, $0xD;
	s16 =	sadd.s32 $0x187A00, s9;
	s10 =	sshll.u32 s0, $0x1  }
0xa: {  	s17 =	sshll.u32 s0, $0xC;
	s18 =	sshll.u32 s0, $0x5;
	_ =	strace $0x80000047  }
0xb: {  	s5 =	sshll.u32 s15, $0x11;
	s7 =	ssub.s32 $0x2, s15;
	s25 =	sor.u32 s15, s10  }
0xc: {  	s10 =	sadd.s32 $0x30D0, s14;
	s31 =	sshll.u32 s15, $0xB;
	s15 =	sshll.u32 s15, $0x4  }
0xd: {  	s5 =	sor.u32 s6, s5;
	s8 =	sshrl.u32 s7, $0x1;
	s29 =	sshll.u32 s25, $0xB  }
0xe: {  	s30 =	sshll.u32 s25, $0x4;
	s24 =	sor.u32 $0x300, s25;
	s5 =	sshrl.u32 s5, $0x3  }
0xf: {  	s13 =	ssub.s32 s7, s8;
	s3 =	sadd.s32 s16, s29;
	s8 =	sadd.s32 s14, s30  }
0x10: {  	s16 =	sadd.s32 s17, s16;
	s14 =	sadd.s32 s18, s14;
	s17 =	simm.s32 $0xC180  }
0x11: {  	s18 =	simm.s32 $0x4;
	p0 =	sgt.u32 s24, $0x30C;
	s24 =	simm.s32 $0x8180  }
0x12: {  	s12 =	sadd.s32 s5, s9;
	s5 =	sadd.s32 s6, s1;
	s6 =	sadd.s32 s6, s2  }
0x13: {  	[dreg:$0x5] =	wrdreg s3;
	s9 =	sadd.s32 $0x30E200, s9;
	s13 =	smax.u32 s13, $0x1  }
0x14: {  	s16 =	sadd.s32 s31, s16;
	s14 =	sadd.s32 s15, s14;
	p1 =	sne.s32 @p0 s25, $0x1F  }
0x15: {  	v0 =	vimm.f32 $0.0e+00;
	vm0 =	vcmask $0x300;
	s11 =	sadd.s32 $0x1000, s12;
	s12 =	sadd.s32 $0x9000, s12;
	s15 =	sadd.s32 $0x20000, s16  }
0x16: {  	v1 =	vsel vm0, $0x3F800000, v0;
	s16 =	sor.u32 $0x20, s25;
	s25 =	simm.s32 $0x3;
	p1 =	por p1, !p0  }
.LBB2_1:
0x17: {  	s29 =	simm.s32 $0x0;
	s30 =	simm.s32 $0x200  }
.LBB2_2:
0x18: {  	p2 =	sne.s32 s30, $0x7E00;
	[tilespmem:s29+$0xC1F0] =	vst v0  }
0x19: {  	[tilespmem:s29+$0xC180] =	vst v0  }
0x1a: {  	[tilespmem:s29+$0xC190] =	vst v0  }
.Ltmp0:
0x1b: {  	[tilespmem:s29+$0xC1A0] =	vst v0;
	(pc) =	sbr.rel @p2 .LBB2_2-.Ltmp0, $4  }
0x1c: {  	[tilespmem:s29+$0xC1B0] =	vst v0  }
0x1d: {  	[tilespmem:s29+$0xC1C0] =	vst v0  }
0x1e: {  	[tilespmem:s29+$0xC1D0] =	vst v0  }
0x1f: {  	[tilespmem:s29+$0xC1E0] =	vst v0;
	s29 =	sshra.s32 s30, $0x2;
	s30 =	sadd.s32 $0x200, s30  }
0x20: {  	[tilespmem:s29+$0xC1F0] =	vst v0  }
0x21: {  	[tilespmem:s29+$0xC180] =	vst v0  }
0x22: {  	[tilespmem:s29+$0xC190] =	vst v0  }
0x23: {  	[tilespmem:s29+$0xC1A0] =	vst v0  }
0x24: {  	[tilespmem:s29+$0xC1B0] =	vst v0  }
0x25: {  	[tilespmem:s29+$0xC1C0] =	vst v0  }
0x26: {  	[tilespmem:s29+$0xC1D0] =	vst v0  }
0x27: {  	[tilespmem:s29+$0xC1E0] =	vst v0;
	s29 =	simm.s32 $0x0;
	s30 =	simm.s32 $0x200  }
.LBB2_4:
0x28: {  	p2 =	sne.s32 s30, $0xFE00;
	[tilespmem:s29+$0x81F0] =	vst v0  }
0x29: {  	[tilespmem:s29+$0x8180] =	vst v1  }
0x2a: {  	[tilespmem:s29+$0x8190] =	vst v0  }
.Ltmp1:
0x2b: {  	[tilespmem:s29+$0x81A0] =	vst v0;
	(pc) =	sbr.rel @p2 .LBB2_4-.Ltmp1, $4  }
0x2c: {  	[tilespmem:s29+$0x81B0] =	vst v0  }
0x2d: {  	[tilespmem:s29+$0x81C0] =	vst v0  }
0x2e: {  	[tilespmem:s29+$0x81D0] =	vst v0  }
0x2f: {  	[tilespmem:s29+$0x81E0] =	vst v0;
	s29 =	sshra.s32 s30, $0x2;
	s30 =	sadd.s32 $0x200, s30  }
0x30: {  	[tilespmem:s29+$0x81F0] =	vst v0  }
0x31: {  	[tilespmem:s29+$0x8180] =	vst v1  }
0x32: {  	[tilespmem:s29+$0x8190] =	vst v0  }
0x33: {  	[tilespmem:s29+$0x81A0] =	vst v0  }
0x34: {  	[tilespmem:s29+$0x81B0] =	vst v0  }
0x35: {  	[tilespmem:s29+$0x81C0] =	vst v0  }
0x36: {  	[tilespmem:s29+$0x81D0] =	vst v0  }
0x37: {  	[tilespmem:s29+$0x81E0] =	vst v0  }
0x38: {  	[spmem:s5] =	stream.linear.scatter [tilespmem:s17], [sflag:$0x4], $0x2000, $0x38;
	[tilespmem:$0x12180] =	vst v63  }
0x39: {  	_ =	swait.ge [sflag:s18], $0x2000  }
0x3a: {  	[sflag:s18] =	ssyncset.done $0x0  }
0x3b: {  	[sflag:s18] =	ssyncadd.s32 $0xFFFFE000  }
0x3c: {  	[spmem:s6] =	stream.linear.scatter [tilespmem:s17], [sflag:$0x4], $0x2000, $0x38;
	[tilespmem:$0x12180] =	vst v63  }
0x3d: {  	_ =	swait.ge [sflag:s18], $0x2000  }
0x3e: {  	[sflag:s18] =	ssyncset.done $0x0  }
0x3f: {  	[sflag:s18] =	ssyncadd.s32 $0xFFFFE000  }
0x40: {  	[bflag:$0x0] =	sbarrier.arrive $0xFFFF  }
0x41: {  	s29 =	simm.s32 $0x0;
	s0 =	rddreg [dreg:$0x5]  }
0x42: {  	[tilespmem:s29], [sflag:$0x1] =	stream.linear.gather [hbm4b:s0+s29], $0x4000, $0x38;
	[tilespmem:$0x12180] =	vst v63  }
0x43: {  	_ = 	snop  }
0x44: {  	[tilespmem:s19], [sflag:$0x1] =	stream.linear.gather [hbm4b:s8+s29], $0x80, $0x38;
	[tilespmem:$0x12180] =	vst v63  }
0x45: {  	_ =	swait.ge [sflag:s20], $0x4000  }
0x46: {  	[sflag:s20] =	ssyncset.done $0x0  }
0x47: {  	[sflag:s20] =	ssyncadd.s32 $0xFFFFC000  }
0x48: {  	_ =	swait.ge [sflag:s20], $0x80  }
0x49: {  	[sflag:s20] =	ssyncset.done $0x0  }
0x4a: {  	s30 =	sadd.s32 $0x0, s14;
	s29 =	sadd.s32 $0xFFFF0000, s15;
	[sflag:s20] =	ssyncadd.s32 $0xFFFFFF80  }
0x4b: {  	[tilespmem:s21], [sflag:$0x2] =	stream.linear.gather [hbm4b:s29+s4], $0x4000, $0x38;
	[tilespmem:$0x12180] =	vst v63  }
0x4c: {  	s29 =	sadd.s32 $0x200, s30  }
0x4d: {  	[tilespmem:s22], [sflag:$0x2] =	stream.linear.gather [hbm4b:s29+s4], $0x80, $0x38;
	[tilespmem:$0x12180] =	vst v63  }
0x4e: {  	_ = 	snop  }
0x4f: {  	[spmem:s2] =	stream.indirect.scatter.add.f32 [tilespmem:s24], [sflag:$0x3], $0x80, s19, s23, $0xb8;
	[tilespmem:$0x12180] =	vst v63  }
0x50: {  	_ = 	snop  }
0x51: {  	[spmem:s1] =	stream.indirect.scatter.add.f32 [tilespmem:s4], [sflag:$0x4], $0x80, s19, s23, $0xb8;
	[tilespmem:$0x12180] =	vst v63  }
0x52: {  	_ =	swait.ge [sflag:s18], $0x4000  }
0x53: {  	[sflag:s18] =	ssyncset.done $0x0  }
0x54: {  	[sflag:s18] =	ssyncadd.s32 $0xFFFFC000  }
0x55: {  	_ =	swait.ge [sflag:s25], $0x4000  }
0x56: {  	[sflag:s25] =	ssyncset.done $0x0  }
0x57: {  	[sflag:s25] =	ssyncadd.s32 $0xFFFFC000  }
0x58: {  	_ =	swait.ge [sflag:s26], $0x4000  }
0x59: {  	[sflag:s26] =	ssyncset.done $0x0  }
0x5a: {  	[sflag:s26] =	ssyncadd.s32 $0xFFFFC000  }
0x5b: {  	_ =	swait.ge [sflag:s26], $0x80  }
0x5c: {  	p2 =	sgt.u32 s16, $0x2EC;
	[sflag:s26] =	ssyncset.done $0x0  }
0x5d: {  	s30 =	sadd.s32 @!p2 $0x0, s14;
	s29 =	simm.s32 @!p2 $0x0;
	[sflag:s26] =	ssyncadd.s32 $0xFFFFFF80  }
0x5e: {  	[tilespmem:s29], [sflag:$0x1] =	stream.linear.gather @!p2 [hbm4b:s15+s29], $0x4000, $0x38;
	[tilespmem:$0x12180] =	vst v63  }
0x5f: {  	s31 =	simm.s32 @!p2 $0x8000;
	s30 =	sadd.s32 @!p2 $0x400, s30  }
0x60: {  	[tilespmem:s31], [sflag:$0x1] =	stream.linear.gather @!p2 [hbm4b:s30+s29], $0x80, $0x38;
	[tilespmem:$0x12180] =	vst v63  }
0x61: {  	_ = 	snop  }
0x62: {  	[spmem:s2] =	stream.indirect.scatter.add.f32 [tilespmem:s24], [sflag:$0x3], $0x80, s22, s23, $0xb8;
	[tilespmem:$0x12180] =	vst v63  }
0x63: {  	_ = 	snop  }
0x64: {  	[spmem:s1] =	stream.indirect.scatter.add.f32 [tilespmem:s21], [sflag:$0x4], $0x80, s22, s23, $0xb8;
	[tilespmem:$0x12180] =	vst v63  }
0x65: {  	_ =	swait.ge [sflag:s18], $0x4000  }
0x66: {  	[sflag:s18] =	ssyncset.done $0x0  }
0x67: {  	[sflag:s18] =	ssyncadd.s32 $0xFFFFC000  }
0x68: {  	s29 =	simm.s32 $0x400;
	_ =	swait.ge [sflag:s25], $0x4000  }
0x69: {  	s30 =	sadd.s32 $0x40, s16;
	s31 =	smov.u32 s15;
	[sflag:s25] =	ssyncset.done $0x0  }
.LBB2_6:
0x6a: {  	[sflag:s25] =	ssyncadd.s32 $0xFFFFC000  }
0x6b: {  	s31 =	sadd.s32 $0x20000, s31;
	s0 =	smov.u32 s29;
	s29 =	sadd.s32 $0x400, s29  }
0x6c: {  	_ =	swait.ge [sflag:s20], $0x4000;
	p2 =	sne.s32 s29, $0x3000  }
0x6d: {  	[sflag:s20] =	ssyncset.done $0x0  }
0x6e: {  	[sflag:s20] =	ssyncadd.s32 $0xFFFFC000  }
0x6f: {  	_ =	swait.ge [sflag:s20], $0x80  }
0x70: {  	[sflag:s20] =	ssyncset.done $0x0  }
0x71: {  	s3 =	sadd.s32 $0xFFFF0000, s31;
	s7 =	sadd.s32 s0, s14;
	[sflag:s20] =	ssyncadd.s32 $0xFFFFFF80  }
0x72: {  	[tilespmem:s21], [sflag:$0x2] =	stream.linear.gather [hbm4b:s3+s4], $0x4000, $0x38;
	[tilespmem:$0x12180] =	vst v63  }
0x73: {  	s3 =	sadd.s32 $0x200, s7  }
0x74: {  	[tilespmem:s22], [sflag:$0x2] =	stream.linear.gather [hbm4b:s3+s4], $0x80, $0x38;
	[tilespmem:$0x12180] =	vst v63  }
0x75: {  	_ = 	snop  }
0x76: {  	[spmem:s2] =	stream.indirect.scatter.add.f32 [tilespmem:s24], [sflag:$0x3], $0x80, s19, s23, $0xb8;
	[tilespmem:$0x12180] =	vst v63  }
0x77: {  	_ = 	snop  }
0x78: {  	[spmem:s1] =	stream.indirect.scatter.add.f32 [tilespmem:s4], [sflag:$0x4], $0x80, s19, s23, $0xb8;
	[tilespmem:$0x12180] =	vst v63  }
0x79: {  	_ =	swait.ge [sflag:s18], $0x4000  }
0x7a: {  	[sflag:s18] =	ssyncset.done $0x0  }
0x7b: {  	[sflag:s18] =	ssyncadd.s32 $0xFFFFC000  }
0x7c: {  	_ =	swait.ge [sflag:s25], $0x4000  }
0x7d: {  	[sflag:s25] =	ssyncset.done $0x0  }
0x7e: {  	[sflag:s25] =	ssyncadd.s32 $0xFFFFC000  }
0x7f: {  	_ =	swait.ge [sflag:s26], $0x4000  }
0x80: {  	[sflag:s26] =	ssyncset.done $0x0  }
0x81: {  	[sflag:s26] =	ssyncadd.s32 $0xFFFFC000  }
0x82: {  	_ =	swait.ge [sflag:s26], $0x80  }
0x83: {  	p3 =	sgt.u32 s30, $0x2EC;
	[sflag:s26] =	ssyncset.done $0x0  }
0x84: {  	s0 =	sadd.s32 @!p3 s0, s14;
	s3 =	simm.s32 @!p3 $0x0;
	[sflag:s26] =	ssyncadd.s32 $0xFFFFFF80  }
0x85: {  	[tilespmem:s3], [sflag:$0x1] =	stream.linear.gather @!p3 [hbm4b:s31+s3], $0x4000, $0x38;
	[tilespmem:$0x12180] =	vst v63  }
0x86: {  	s0 =	sadd.s32 @!p3 $0x400, s0;
	s7 =	simm.s32 @!p3 $0x8000  }
0x87: {  	[tilespmem:s7], [sflag:$0x1] =	stream.linear.gather @!p3 [hbm4b:s0+s3], $0x80, $0x38;
	[tilespmem:$0x12180] =	vst v63  }
0x88: {  	_ = 	snop  }
0x89: {  	[spmem:s2] =	stream.indirect.scatter.add.f32 [tilespmem:s24], [sflag:$0x3], $0x80, s22, s23, $0xb8;
	[tilespmem:$0x12180] =	vst v63  }
0x8a: {  	_ = 	snop  }
0x8b: {  	[spmem:s1] =	stream.indirect.scatter.add.f32 [tilespmem:s21], [sflag:$0x4], $0x80, s22, s23, $0xb8;
	[tilespmem:$0x12180] =	vst v63  }
.Ltmp2:
0x8c: {  	_ =	swait.ge [sflag:s18], $0x4000;
	(pc) =	sbr.rel @p2 .LBB2_6-.Ltmp2, $4  }
0x8d: {  	[sflag:s18] =	ssyncset.done $0x0  }
0x8e: {  	[sflag:s18] =	ssyncadd.s32 $0xFFFFC000  }
0x8f: {  	_ =	swait.ge [sflag:s25], $0x4000  }
0x90: {  	s30 =	sadd.s32 $0x40, s30;
	[sflag:s25] =	ssyncset.done $0x0  }
0x91: {  	[sflag:s25] =	ssyncadd.s32 $0xFFFFC000;
	s0 =	simm.s32 @!p1 $0x0;
	s3 =	simm.s32 @!p1 $0x4  }
0x92: {  	[tilespmem:s0], [sflag:$0x4] =	stream.linear.gather @!p1 [hbm4b:s9+s0], $0x1000, $0x38;
	[tilespmem:$0x12180] =	vst v63  }
0x93: {  	_ =	swait.ge @!p1 [sflag:s3], $0x1000  }
0x94: {  	[sflag:s3] =	ssyncset.done @!p1 $0x0  }
0x95: {  	s7 =	simm.s32 @!p1 $0x8100;
	[sflag:s3] =	ssyncadd.s32 @!p1 $0xFFFFF000  }
0x96: {  	[tilespmem:s7], [sflag:$0x4] =	stream.linear.gather @!p1 [hbm4b:s10+s0], $0x20, $0x38;
	[tilespmem:$0x12180] =	vst v63  }
0x97: {  	_ =	swait.ge @!p1 [sflag:s3], $0x20  }
0x98: {  	[sflag:s3] =	ssyncset.done @!p1 $0x0  }
0x99: {  	s29 =	simm.s32 @!p1 $0x20;
	[sflag:s3] =	ssyncadd.s32 @!p1 $0xFFFFFFE0  }
0x9a: {  	[spmem:s1] =	stream.indirect.scatter.add.f32 @!p1 [tilespmem:s0], [sflag:$0x4], $0x80, s7, s29, $0xb8;
	[tilespmem:$0x12180] =	vst v63  }
0x9b: {  	_ =	swait.ge @!p1 [sflag:s3], $0x1000  }
0x9c: {  	[sflag:s3] =	ssyncset.done @!p1 $0x0  }
0x9d: {  	s0 =	simm.s32 @!p1 $0x8180;
	[sflag:s3] =	ssyncadd.s32 @!p1 $0xFFFFF000  }
0x9e: {  	[spmem:s2] =	stream.indirect.scatter.add.f32 @!p1 [tilespmem:s0], [sflag:$0x4], $0x80, s7, s29, $0xb8;
	[tilespmem:$0x12180] =	vst v63  }
0x9f: {  	_ =	swait.ge @!p1 [sflag:s3], $0x1000  }
0xa0: {  	[sflag:s3] =	ssyncset.done @!p1 $0x0  }
0xa1: {  	s0 =	simm.s32 @!p0 $0x1;
	[sflag:s3] =	ssyncadd.s32 @!p1 $0xFFFFF000  }
0xa2: {  	_ =	swait.ge @!p0 [sflag:s0], $0x4000  }
0xa3: {  	[sflag:s0] =	ssyncset.done @!p0 $0x0  }
0xa4: {  	[sflag:s0] =	ssyncadd.s32 @!p0 $0xFFFFC000  }
0xa5: {  	_ =	swait.ge @!p0 [sflag:s0], $0x80  }
0xa6: {  	s7 =	simm.s32 @!p0 $0x8180;
	[sflag:s0] =	ssyncset.done @!p0 $0x0  }
0xa7: {  	s3 =	simm.s32 @!p0 $0x8000;
	[sflag:s0] =	ssyncadd.s32 @!p0 $0xFFFFFF80;
	s0 =	simm.s32 @!p0 $0x80  }
0xa8: {  	[spmem:s2] =	stream.indirect.scatter.add.f32 @!p0 [tilespmem:s7], [sflag:$0x3], $0x80, s3, s0, $0xb8;
	[tilespmem:$0x12180] =	vst v63  }
0xa9: {  	s7 =	simm.s32 @!p0 $0x0  }
0xaa: {  	[spmem:s1] =	stream.indirect.scatter.add.f32 @!p0 [tilespmem:s7], [sflag:$0x4], $0x80, s3, s0, $0xb8;
	[tilespmem:$0x12180] =	vst v63  }
0xab: {  	s0 =	simm.s32 @!p0 $0x4  }
0xac: {  	_ =	swait.ge @!p0 [sflag:s0], $0x4000  }
0xad: {  	[sflag:s0] =	ssyncset.done @!p0 $0x0  }
0xae: {  	[sflag:s0] =	ssyncadd.s32 @!p0 $0xFFFFC000;
	s0 =	simm.s32 @!p0 $0x3  }
0xaf: {  	_ =	swait.ge @!p0 [sflag:s0], $0x4000  }
0xb0: {  	s29 =	stileid.u32;
	[sflag:s0] =	ssyncset.done @!p0 $0x0  }
0xb1: {  	[sflag:s0] =	ssyncadd.s32 @!p0 $0xFFFFC000;
	s0 =	sshll.u32 s29, $0x6  }
0xb2: {  	s30 =	sshrl.u32 s5, $0x3;
	[bflag:$0x0] =	sbarrier.arrive $0xFFFF;
	s0 =	sor.u32 $0x1C04, s0  }
0xb3: {  	[hbm:s11], [sflag:s0] =	dma.local [spmem:s30], $0x400  }
0xb4: {  	s28 =	sadd.s32 $0x1, s28;
	_ =	swait.ge [sflag:s18], $0x400  }
0xb5: {  	p2 =	sne.s32 s28, s13;
	[sflag:s18] =	ssyncset.done $0x0  }
.Ltmp3:
0xb6: {  	s31 =	sshrl.u32 s6, $0x3;
	[sflag:s18] =	ssyncadd.s32 $0xFFFFFC00;
	(pc) =	sbr.rel @p2 .LBB2_1-.Ltmp3, $4  }
0xb7: {  	[hbm:s12], [sflag:s0] =	dma.local [spmem:s31], $0x400  }
0xb8: {  	_ =	swait.ge [sflag:s18], $0x400  }
0xb9: {  	[sflag:s18] =	ssyncset.done $0x0  }
0xba: {  	[sflag:s18] =	ssyncadd.s32 $0xFFFFFC00  }
0xbb: {  	_ =	sfence.sel $0x180000  }
0xbc: {  	[bflag:$0x0] =	sbarrier.arrive $0xFFFF  }
0xbd: {  	_ =	strace $0x90000047  }
0xbe: {  	s0 =	stileid.u32;
	[bflag:$0x2] =	sbarrier.arrive $0xFFFF  }
0xbf: {  	p0 =	sne.s32 s0, $0x0;
	s0 =	rddreg [dreg:$0x4]  }
0xc0: {  	s0 =	sadd.s32 @!p0 $0x100000, s0  }
0xc1: {  	[sflag:s0] =	ssyncadd.tile.s32 @!p0 $0x1;
	_ =	shalt  }
.Lfunc_end2:
_tile_overlayer_lowered:
.L_overlay_start_2:
0xc2: {  	(tag) =	ssettag $0x2  }
0xc3: {  	s0 =	rddreg [dreg:$0x0];
	s2 =	stileid.u32  }
0xc4: {  	s1 =	rddreg [dreg:$0x1];
	p0 =	sne.s32 s2, $0x0  }
0xc5: {  	s3 =	rddreg [dreg:$0x2];
	[bflag:$0x3] =	sbarrier.arrive $0xFFFF;
	s2 =	simm.s32 @!p0 $0x1C04  }
0xc6: {  	[timem:s3], [sflag:s2] =	dma.local @!p0 [hbm:s0], s1  }
0xc7: {  	s0 =	simm.s32 @!p0 $0x4  }
0xc8: {  	_ =	swait.ge @!p0 [sflag:s0], s1  }
0xc9: {  	s1 =	ssub.s32 @!p0 $0x0, s1;
	[sflag:s0] =	ssyncset.done @!p0 $0x0  }
0xca: {  	[sflag:s0] =	ssyncadd.s32 @!p0 s1  }
0xcb: {  	[bflag:$0x3] =	sbarrier.arrive $0xFFFF  }
0xcc: {  	_ =	shalt  }

</sc_bundles>
